<compile_context>
chip_gen: v7x
topology: tpu7x:2x2x1
jax: 0.10.2.dev20260603
libtpu: 0.0.44.dev20260713+nightly
codegen_flags: <defaults>
</compile_context>

<pallas_src>
import jax
import jax.numpy as jnp
from jax import lax
from jax.experimental import pallas as pl
from jax.experimental.pallas import tpu as pltpu
from jax.experimental.pallas import tpu_sc as plsc


def _bn_relu(x):
    mu = jnp.mean(x, axis=1, keepdims=True)
    var = jnp.mean((x - mu) * (x - mu), axis=1, keepdims=True)
    return jax.nn.relu((x - mu) / jnp.sqrt(var + 1e-5))


def _mlp(x, Ws, b_last):
    for W in Ws[:-1]:
        x = _bn_relu(jnp.dot(W, x, preferred_element_type=jnp.float32))
    return jnp.dot(Ws[-1], x, preferred_element_type=jnp.float32) + b_last


def _top3_S(dsq, size):
    iota = lax.broadcasted_iota(jnp.int32, dsq.shape, 0)
    key = lax.bitwise_or(
        lax.bitwise_and(lax.bitcast_convert_type(dsq, jnp.int32),
                        jnp.int32(-128)), iota)
    sels, ds = [], []
    for _ in range(3):
        kmin = jnp.min(key, axis=0, keepdims=True)
        sel = key == kmin
        sels.append(sel)
        ds.append(jnp.sqrt(lax.bitcast_convert_type(kmin, jnp.float32)))
        key = jnp.where(sel, jnp.int32(2147483647), key)
    sumd = ds[0] + ds[1] + ds[2]
    return (jnp.where(sels[0], 1.0 - ds[0] / sumd, 0.0)
            + jnp.where(sels[1], 1.0 - ds[1] / sumd, 0.0)
            + jnp.where(sels[2], 1.0 - ds[2] / sumd, 0.0))


def _prelude_body(nbf, igb, s32, gf, naf, iga, s16, na, nbt,
                  wba0, wba1, bba1,
                  wbp0, wbp1, wbp2, bbp2,
                  waa0, waa1, baa1,
                  wap0, wap1, wap2, bap2,
                  up_nb_ref, up_na_ref):
    Mb = nbf.shape[2]
    Ma = naf.shape[2]
    Cg = gf.shape[1]

    def catb(ref):
        return jnp.concatenate([ref[0], ref[1]], axis=1)

    nbf_c, igb_c = catb(nbf), catb(igb)
    att = _mlp(jnp.concatenate([nbf_c, igb_c], axis=0),
               [wba0[:], wba1[:]], bba1[:])
    att = jax.nn.softmax(att, axis=0)
    ws32 = jnp.concatenate(
        [jnp.dot(s32[0], att[:, :Mb], preferred_element_type=jnp.float32),
         jnp.dot(s32[1], att[:, Mb:], preferred_element_type=jnp.float32)],
        axis=1)
    gf_c = jnp.concatenate([jnp.broadcast_to(gf[0], (Cg, Mb)),
                            jnp.broadcast_to(gf[1], (Cg, Mb))], axis=1)
    up_nb = _mlp(jnp.concatenate([nbf_c, gf_c, ws32, igb_c], axis=0),
                 [wbp0[:], wbp1[:], wbp2[:]], bbp2[:])
    up_nb_ref[0] = up_nb[:, :Mb]
    up_nb_ref[1] = up_nb[:, Mb:]

    naf_c, iga_c = catb(naf), catb(iga)
    atta = _mlp(jnp.concatenate([naf_c, iga_c], axis=0),
                [waa0[:], waa1[:]], baa1[:])
    atta = jax.nn.softmax(atta, axis=0)
    ws16 = jnp.concatenate(
        [jnp.dot(s16[0], atta[:, :Ma], preferred_element_type=jnp.float32),
         jnp.dot(s16[1], atta[:, Ma:], preferred_element_type=jnp.float32)],
        axis=1)

    def interp_ab(b, ub):
        dsq = jnp.zeros((Mb, Ma), jnp.float32)
        for c in range(3):
            diff = nbt[b][:, c:c + 1] - na[b][c:c + 1, :]
            dsq = dsq + diff * diff
        S = _top3_S(dsq, Mb)
        return jnp.dot(ub, S, preferred_element_type=jnp.float32)

    iab_c = jnp.concatenate([interp_ab(0, up_nb[:, :Mb]),
                             interp_ab(1, up_nb[:, Mb:])], axis=1)
    up_na = _mlp(jnp.concatenate([naf_c, iab_c, ws16], axis=0),
                 [wap0[:], wap1[:], wap2[:]], bap2[:])
    up_na_ref[0] = up_na[:, :Ma]
    up_na_ref[1] = up_na[:, Ma:]


def _interp_pb_body(pc, nbt, up_nb, out_pb):
    Mb = nbt.shape[1]
    blk = pc.shape[2]
    pcb = pc[0]

    dsq = jnp.zeros((Mb, blk), jnp.float32)
    for c in range(3):
        diff = nbt[0][:, c:c + 1] - pcb[c:c + 1, :]
        dsq = dsq + diff * diff
    S = _top3_S(dsq, Mb)
    out_pb[0] = jnp.dot(up_nb[0], S, preferred_element_type=jnp.float32)


def _sc_sqrt(x):
    i = lax.bitcast_convert_type(x, jnp.int32)
    i = jnp.int32(0x5F3759DF) - lax.shift_right_logical(i, 1)
    y = lax.bitcast_convert_type(i, jnp.float32)
    for _ in range(3):
        y = y * (1.5 - 0.5 * x * y * y)
    return x * y


def _sc_pa_body(pc_hbm, naf_hbm, idxt_hbm, upf_hbm, out_hbm,
                tbl, nav, pcv, idxv, obuf):
    NC, NS = 2, 16
    wid = lax.axis_index("s") * NC + lax.axis_index("c")
    B = pc_hbm.shape[0]
    Ma = naf_hbm.shape[1] // 3
    Ca = upf_hbm.shape[1] // Ma
    npts = pc_hbm.shape[2] // (NC * NS)
    n0 = pl.multiple_of(wid * npts, 8)
    iota = lax.iota(jnp.int32, 16)

    for b in range(B):
        pltpu.sync_copy(upf_hbm.at[b], tbl)
        pltpu.sync_copy(naf_hbm.at[b], nav)
        pltpu.sync_copy(pc_hbm.at[b, :, pl.ds(n0, npts)], pcv)
        pltpu.sync_copy(idxt_hbm.at[b, :, pl.ds(n0, npts)], idxv)

        def wgroup(g, carry):
            s = pl.multiple_of(g * 16, 16)
            idxk = [idxv[k, pl.ds(s, 16)] for k in range(3)]
            pck = [pcv[c, pl.ds(s, 16)] for c in range(3)]
            ds = []
            for k in range(3):
                dsq = jnp.zeros((16,), jnp.float32)
                for c in range(3):
                    cc = plsc.load_gather(nav, [idxk[k] + (c * Ma)])
                    dd = pck[c] - cc
                    dsq = dsq + dd * dd
                ds.append(_sc_sqrt(dsq))
            sumd = ds[0] + ds[1] + ds[2]
            ws = [1.0 - d / sumd for d in ds]
            ixs = [idxk[k] * Ca for k in range(3)]

            @plsc.parallel_loop(0, Ca, unroll=4)
            def feat(f):
                acc = ws[0] * plsc.load_gather(tbl, [ixs[0] + f])
                acc = acc + ws[1] * plsc.load_gather(tbl, [ixs[1] + f])
                acc = acc + ws[2] * plsc.load_gather(tbl, [ixs[2] + f])
                plsc.store_scatter(obuf, [jnp.full((16,), f, jnp.int32),
                                          iota + s], acc)
            return carry

        jax.lax.fori_loop(0, npts // 16, wgroup, 0)
        pltpu.sync_copy(obuf, out_hbm.at[b, :, pl.ds(n0, npts)])


def kernel(pc, node_a, node_b, img_global_feature_BCMa, img_global_feature_BCMb,
           img_s32_feature_map_BCHw, img_s16_feature_map_BCHw, node_b_features,
           global_feature, node_a_features, node_a_min_k_idx, params):
    B, _, N = pc.shape
    Ma, Mb = node_a.shape[2], node_b.shape[2]
    C_b = params['node_b_pn'][-1][0].shape[0]
    C_a = params['node_a_pn'][-1][0].shape[0]

    nbt = jnp.transpose(node_b, (0, 2, 1))
    idxt = jnp.transpose(node_a_min_k_idx.astype(jnp.int32), (0, 2, 1))

    wbs = []
    for name in ('node_b_attention_pn', 'node_b_pn',
                 'node_a_attention_pn', 'node_a_pn'):
        layers = params[name]
        wbs += [W for (W, _) in layers]
        wbs.append(layers[-1][1].reshape(-1, 1))

    up_nb, up_na = pl.pallas_call(
        _prelude_body,
        out_shape=[jax.ShapeDtypeStruct((B, C_b, Mb), jnp.float32),
                   jax.ShapeDtypeStruct((B, C_a, Ma), jnp.float32)],
    )(node_b_features, img_global_feature_BCMb, img_s32_feature_map_BCHw,
      global_feature, node_a_features, img_global_feature_BCMa,
      img_s16_feature_map_BCHw, node_a, nbt, *wbs)

    NW = 32
    npts = N // NW
    interp_pa = pl.kernel(
        _sc_pa_body,
        out_type=jax.ShapeDtypeStruct((B, C_a, N), jnp.float32),
        mesh=plsc.VectorSubcoreMesh(core_axis_name="c", subcore_axis_name="s"),
        compiler_params=pltpu.CompilerParams(needs_layout_passes=False),
        scratch_types=[
            pltpu.VMEM((Ma * C_a,), jnp.float32),
            pltpu.VMEM((3 * Ma,), jnp.float32),
            pltpu.VMEM((3, npts), jnp.float32),
            pltpu.VMEM((3, npts), jnp.int32),
            pltpu.VMEM((C_a, npts), jnp.float32),
        ],
    )(pc, node_a.reshape(B, 3 * Ma), idxt,
      jnp.transpose(up_na, (0, 2, 1)).reshape(B, Ma * C_a))

    BLK = 4096
    interp_pb = pl.pallas_call(
        _interp_pb_body,
        grid=(B, N // BLK),
        in_specs=[
            pl.BlockSpec((1, 3, BLK), lambda b, i: (b, 0, i)),
            pl.BlockSpec((1, Mb, 3), lambda b, i: (b, 0, 0)),
            pl.BlockSpec((1, C_b, Mb), lambda b, i: (b, 0, 0)),
        ],
        out_specs=pl.BlockSpec((1, C_b, BLK), lambda b, i: (b, 0, i)),
        out_shape=jax.ShapeDtypeStruct((B, C_b, N), jnp.float32),
    )(pc, nbt, up_nb)

    return (interp_pa, interp_pb)

# --- scband reference (transcript-rebuilt; emitter-appended) ---
"""Pipeline reference for scband-i2-p-fusion-44367012168417 (READ-ONLY COPY).

The authoritative reference and input builder live on the scoring server;
editing this copy changes nothing except your own understanding.
"""

import jax, jax.numpy as jnp
import numpy as np


def _make_pn(key, c_in, cs):
    layers = []
    for c_out in cs:
        key, k1 = jax.random.split(key)
        W = jax.random.normal(k1, (c_out, c_in), dtype=jnp.float32) * 0.02
        b = jnp.zeros((c_out,), dtype=jnp.float32)
        layers.append((W, b))
        c_in = c_out
    return layers, key


def _pointnet(x, layers):
    # shared MLP over points (1x1 conv); batchnorm(train-mode stats)+relu on all but last layer
    n = len(layers)
    for i, (W, b) in enumerate(layers):
        x = jnp.einsum('oi,bim->bom', W, x) + b[None, :, None]
        if i < n - 1:
            mu = jnp.mean(x, axis=(0, 2), keepdims=True)
            var = jnp.var(x, axis=(0, 2), keepdims=True)
            x = (x - mu) / jnp.sqrt(var + 1e-5)
            x = jax.nn.relu(x)
    return x


def _gather_topk(idx, feats):
    # idx: B,N,k (int); feats: B,C,M -> B,C,N,k
    return jax.vmap(lambda f, i: f[:, i])(feats, idx)


def _upsample(idx, node_a, node_b, up_feats):
    tb = _gather_topk(idx, node_b)                                  # B,3,N,k
    diff = jnp.linalg.norm(node_a[:, :, :, None] - tb, axis=1)      # B,N,k
    w = 1.0 - diff / jnp.sum(diff, axis=2, keepdims=True)           # B,N,k
    tf = _gather_topk(idx, up_feats)                                # B,C,N,k
    return jnp.sum(w[:, None, :, :] * tf, axis=3)                   # B,C,N


def setup_inputs(seed: int = 0) -> dict:
    key = jax.random.key(seed)
    B, N, Ma, Mb = 2, 20480, 256, 128
    ks = jax.random.split(key, 12)
    pc = jax.random.normal(ks[0], (B, 3, N), dtype=jnp.float32)
    node_a = jax.random.normal(ks[1], (B, 3, Ma), dtype=jnp.float32)
    node_b = jax.random.normal(ks[2], (B, 3, Mb), dtype=jnp.float32)
    img_global_feature_BCMa = jax.random.normal(ks[3], (B, 512, Ma), dtype=jnp.float32)
    img_global_feature_BCMb = jax.random.normal(ks[4], (B, 512, Mb), dtype=jnp.float32)
    img_s32_feature_map_BCHw = jax.random.normal(ks[5], (B, 512, 80), dtype=jnp.float32)
    img_s16_feature_map_BCHw = jax.random.normal(ks[6], (B, 256, 320), dtype=jnp.float32)
    node_b_features = jax.random.normal(ks[7], (B, 256, Mb), dtype=jnp.float32)
    global_feature = jax.random.normal(ks[8], (B, 512, 1), dtype=jnp.float32)
    node_a_features = jax.random.normal(ks[9], (B, 64, Ma), dtype=jnp.float32)
    node_a_min_k_idx = jax.random.randint(ks[10], (B, N, 3), 0, Ma, dtype=jnp.int64)
    pkey = ks[11]
    p = {}
    p['node_b_attention_pn'], pkey = _make_pn(pkey, 256 + 512, [256, 5 * 16])
    p['node_b_pn'], pkey = _make_pn(pkey, 256 + 512 + 512 + 512, [1024, 512, 512])
    p['node_a_attention_pn'], pkey = _make_pn(pkey, 64 + 512, [256, 5 * 16 * 4])
    p['node_a_pn'], pkey = _make_pn(pkey, 64 + 256 + 512, [512, 128, 128])
    return {
        'pc': pc, 'node_a': node_a, 'node_b': node_b,
        'img_global_feature_BCMa': img_global_feature_BCMa,
        'img_global_feature_BCMb': img_global_feature_BCMb,
        'img_s32_feature_map_BCHw': img_s32_feature_map_BCHw,
        'img_s16_feature_map_BCHw': img_s16_feature_map_BCHw,
        'node_b_features': node_b_features,
        'global_feature': global_feature,
        'node_a_features': node_a_features,
        'node_a_min_k_idx': node_a_min_k_idx,
        'params': p,
    }


def reference(pc, node_a, node_b, img_global_feature_BCMa, img_global_feature_BCMb,
              img_s32_feature_map_BCHw, img_s16_feature_map_BCHw, node_b_features,
              global_feature, node_a_features, node_a_min_k_idx, params):
    B, Mb = pc.shape[0], node_b.shape[2]
    C_global = global_feature.shape[1]
    # node_b attention over s32 image pixels
    nb_att = _pointnet(jnp.concatenate((node_b_features, img_global_feature_BCMb), axis=1),
                       params['node_b_attention_pn'])
    nb_att = jax.nn.softmax(nb_att, axis=1)                                  # B,80,Mb
    w_s32 = jnp.sum(img_s32_feature_map_BCHw[:, :, :, None] * nb_att[:, None, :, :], axis=2)  # B,512,Mb
    gf = jnp.broadcast_to(global_feature, (B, C_global, Mb))
    up_nb = _pointnet(jnp.concatenate((node_b_features, gf, w_s32, img_global_feature_BCMb), axis=1),
                      params['node_b_pn'])                                   # B,512,Mb
    # brute-force kNN pc -> node_b (k=3, smallest distance)
    d_pb = jnp.linalg.norm(pc[:, :, :, None] - node_b[:, :, None, :], axis=1)  # B,N,Mb
    _, idx_pb = jax.lax.top_k(-d_pb, 3)
    interp_pb = _upsample(idx_pb, pc, node_b, up_nb)                         # B,512,N
    # node_a attention over s16 image pixels
    na_att = _pointnet(jnp.concatenate((node_a_features, img_global_feature_BCMa), axis=1),
                       params['node_a_attention_pn'])
    na_att = jax.nn.softmax(na_att, axis=1)                                  # B,320,Ma
    w_s16 = jnp.sum(img_s16_feature_map_BCHw[:, :, :, None] * na_att[:, None, :, :], axis=2)  # B,256,Ma
    # kNN node_a -> node_b (k=3)
    d_ab = jnp.linalg.norm(node_a[:, :, :, None] - node_b[:, :, None, :], axis=1)  # B,Ma,Mb
    _, idx_ab = jax.lax.top_k(-d_ab, 3)
    interp_ab = _upsample(idx_ab, node_a, node_b, up_nb)                     # B,512,Ma
    up_na = _pointnet(jnp.concatenate((node_a_features, interp_ab, w_s16), axis=1),
                      params['node_a_pn'])                                   # B,128,Ma
    interp_pa = _upsample(node_a_min_k_idx, pc, node_a, up_na)               # B,128,N
    return (interp_pa, interp_pb)

if __name__ == "__main__":
    import jax
    _d = setup_inputs()
    print(jax.jit(kernel)(*tuple(_d.values())))

</pallas_src>

<mosaic_0001>
#map = affine_map<(d0, d1) -> (0, 0, 0)>
#map1 = affine_map<(d0, d1) -> (0, 0)>
module attributes {stable_mosaic.version = 14 : i64} {
  func.func @_sc_pa_body(%arg0: i32, %arg1: i32, %arg2: memref<2x3x20480xf32, #tpu.memory_space<hbm>>, %arg3: memref<2x768xf32, #tpu.memory_space<hbm>>, %arg4: memref<2x3x20480xi32, #tpu.memory_space<hbm>>, %arg5: memref<2x32768xf32, #tpu.memory_space<hbm>>, %arg6: memref<2x128x20480xf32, #tpu.memory_space<hbm>>, %arg7: memref<32768xf32, #tpu.memory_space<vmem>>, %arg8: memref<768xf32, #tpu.memory_space<vmem>>, %arg9: memref<3x640xf32, #tpu.memory_space<vmem>>, %arg10: memref<3x640xi32, #tpu.memory_space<vmem>>, %arg11: memref<128x640xf32, #tpu.memory_space<vmem>>) attributes {dimension_semantics = [#tpu.dimension_semantics<core_parallel>, #tpu.dimension_semantics<subcore_parallel>], iteration_bounds = array<i64: 2, 16>, scalar_prefetch = 0 : i64, scratch_operands = 5 : i64, tpu.core_type = #tpu.core_type<sc_vector_subcore>, window_params = [{transform_indices = #map}, {transform_indices = #map1}, {transform_indices = #map}, {transform_indices = #map1}, {transform_indices = #map}]} {
    %mul3A = arith.constant 2 : i32
    %mul3A_0 = arith.muli %arg1, %mul3A : i32
    %add3A = arith.addi %mul3A_0, %arg0 : i32
    %mul3A_1 = arith.constant 640 : i32
    %mul3A_2 = arith.muli %add3A, %mul3A_1 : i32
    %multiple_of3A = tpu.assume_multiple %mul3A_2, 8 : i32
    %iota3A = tpu.iota {dimensions = array<i32: 0>} : vector<16xi32>
    %run_scoped3A = arith.constant 0 : i32
    "tpu.region"() ({
      %run_scoped3A_23 = tpu.sem_alloc : memref<!tpu.dma_semaphore, #tpu.memory_space<semaphore_mem>>
      %dma_start3A = arith.constant 0 : i32
      %dma_start3A_24 = tpu.memref_slice %arg5[%run_scoped3A, %dma_start3A] : memref<2x32768xf32, #tpu.memory_space<hbm>> -> memref<1x32768xf32, #tpu.memory_space<hbm>>
      %dma_start3A_25 = tpu.memref_squeeze %dma_start3A_24 : memref<1x32768xf32, #tpu.memory_space<hbm>> -> memref<32768xf32, #tpu.memory_space<hbm>>
      %dma_start3A_26 = arith.constant 0 : i32
      %dma_start3A_27 = tpu.memref_slice %arg5[%run_scoped3A, %dma_start3A_26] : memref<2x32768xf32, #tpu.memory_space<hbm>> -> memref<1x32768xf32, #tpu.memory_space<hbm>>
      %dma_start3A_28 = tpu.memref_squeeze %dma_start3A_27 : memref<1x32768xf32, #tpu.memory_space<hbm>> -> memref<32768xf32, #tpu.memory_space<hbm>>
      tpu.enqueue_dma source(%dma_start3A_28 : memref<32768xf32, #tpu.memory_space<hbm>>) target(%arg7 : memref<32768xf32, #tpu.memory_space<vmem>>) target_semaphore(%run_scoped3A_23 : memref<!tpu.dma_semaphore, #tpu.memory_space<semaphore_mem>>)
      %dma_wait3A = arith.constant 0 : i32
      %dma_wait3A_29 = tpu.memref_slice %arg5[%run_scoped3A, %dma_wait3A] : memref<2x32768xf32, #tpu.memory_space<hbm>> -> memref<1x32768xf32, #tpu.memory_space<hbm>>
      %dma_wait3A_30 = tpu.memref_squeeze %dma_wait3A_29 : memref<1x32768xf32, #tpu.memory_space<hbm>> -> memref<32768xf32, #tpu.memory_space<hbm>>
      %dma_wait3A_31 = arith.constant 0 : i32
      %dma_wait3A_32 = tpu.memref_slice %arg5[%run_scoped3A, %dma_wait3A_31] : memref<2x32768xf32, #tpu.memory_space<hbm>> -> memref<1x32768xf32, #tpu.memory_space<hbm>>
      %dma_wait3A_33 = tpu.memref_squeeze %dma_wait3A_32 : memref<1x32768xf32, #tpu.memory_space<hbm>> -> memref<32768xf32, #tpu.memory_space<hbm>>
      tpu.wait_dma2 semaphore(%run_scoped3A_23 : memref<!tpu.dma_semaphore, #tpu.memory_space<semaphore_mem>>) src(%dma_wait3A_33 : memref<32768xf32, #tpu.memory_space<hbm>>) dst(%arg7 : memref<32768xf32, #tpu.memory_space<vmem>>)
      tpu.yield
    }) : () -> ()
    %run_scoped3A_3 = arith.constant 0 : i32
    "tpu.region"() ({
      %run_scoped3A_23 = tpu.sem_alloc : memref<!tpu.dma_semaphore, #tpu.memory_space<semaphore_mem>>
      %dma_start3A = arith.constant 0 : i32
      %dma_start3A_24 = tpu.memref_slice %arg3[%run_scoped3A_3, %dma_start3A] : memref<2x768xf32, #tpu.memory_space<hbm>> -> memref<1x768xf32, #tpu.memory_space<hbm>>
      %dma_start3A_25 = tpu.memref_squeeze %dma_start3A_24 : memref<1x768xf32, #tpu.memory_space<hbm>> -> memref<768xf32, #tpu.memory_space<hbm>>
      %dma_start3A_26 = arith.constant 0 : i32
      %dma_start3A_27 = tpu.memref_slice %arg3[%run_scoped3A_3, %dma_start3A_26] : memref<2x768xf32, #tpu.memory_space<hbm>> -> memref<1x768xf32, #tpu.memory_space<hbm>>
      %dma_start3A_28 = tpu.memref_squeeze %dma_start3A_27 : memref<1x768xf32, #tpu.memory_space<hbm>> -> memref<768xf32, #tpu.memory_space<hbm>>
      tpu.enqueue_dma source(%dma_start3A_28 : memref<768xf32, #tpu.memory_space<hbm>>) target(%arg8 : memref<768xf32, #tpu.memory_space<vmem>>) target_semaphore(%run_scoped3A_23 : memref<!tpu.dma_semaphore, #tpu.memory_space<semaphore_mem>>)
      %dma_wait3A = arith.constant 0 : i32
      %dma_wait3A_29 = tpu.memref_slice %arg3[%run_scoped3A_3, %dma_wait3A] : memref<2x768xf32, #tpu.memory_space<hbm>> -> memref<1x768xf32, #tpu.memory_space<hbm>>
      %dma_wait3A_30 = tpu.memref_squeeze %dma_wait3A_29 : memref<1x768xf32, #tpu.memory_space<hbm>> -> memref<768xf32, #tpu.memory_space<hbm>>
      %dma_wait3A_31 = arith.constant 0 : i32
      %dma_wait3A_32 = tpu.memref_slice %arg3[%run_scoped3A_3, %dma_wait3A_31] : memref<2x768xf32, #tpu.memory_space<hbm>> -> memref<1x768xf32, #tpu.memory_space<hbm>>
      %dma_wait3A_33 = tpu.memref_squeeze %dma_wait3A_32 : memref<1x768xf32, #tpu.memory_space<hbm>> -> memref<768xf32, #tpu.memory_space<hbm>>
      tpu.wait_dma2 semaphore(%run_scoped3A_23 : memref<!tpu.dma_semaphore, #tpu.memory_space<semaphore_mem>>) src(%dma_wait3A_33 : memref<768xf32, #tpu.memory_space<hbm>>) dst(%arg8 : memref<768xf32, #tpu.memory_space<vmem>>)
      tpu.yield
    }) : () -> ()
    %run_scoped3A_4 = arith.constant 0 : i32
    "tpu.region"() ({
      %run_scoped3A_23 = tpu.sem_alloc : memref<!tpu.dma_semaphore, #tpu.memory_space<semaphore_mem>>
      %dma_start3A = arith.constant 0 : i32
      %dma_start3A_24 = tpu.memref_slice %arg2[%run_scoped3A_4, %dma_start3A, %multiple_of3A] : memref<2x3x20480xf32, #tpu.memory_space<hbm>> -> memref<1x3x640xf32, #tpu.memory_space<hbm>>
      %dma_start3A_25 = tpu.memref_squeeze %dma_start3A_24 : memref<1x3x640xf32, #tpu.memory_space<hbm>> -> memref<3x640xf32, #tpu.memory_space<hbm>>
      %dma_start3A_26 = arith.constant 0 : i32
      %dma_start3A_27 = tpu.memref_slice %arg2[%run_scoped3A_4, %dma_start3A_26, %multiple_of3A] : memref<2x3x20480xf32, #tpu.memory_space<hbm>> -> memref<1x3x640xf32, #tpu.memory_space<hbm>>
      %dma_start3A_28 = tpu.memref_squeeze %dma_start3A_27 : memref<1x3x640xf32, #tpu.memory_space<hbm>> -> memref<3x640xf32, #tpu.memory_space<hbm>>
      tpu.enqueue_dma source(%dma_start3A_28 : memref<3x640xf32, #tpu.memory_space<hbm>>) target(%arg9 : memref<3x640xf32, #tpu.memory_space<vmem>>) target_semaphore(%run_scoped3A_23 : memref<!tpu.dma_semaphore, #tpu.memory_space<semaphore_mem>>)
      %dma_wait3A = arith.constant 0 : i32
      %dma_wait3A_29 = tpu.memref_slice %arg2[%run_scoped3A_4, %dma_wait3A, %multiple_of3A] : memref<2x3x20480xf32, #tpu.memory_space<hbm>> -> memref<1x3x640xf32, #tpu.memory_space<hbm>>
      %dma_wait3A_30 = tpu.memref_squeeze %dma_wait3A_29 : memref<1x3x640xf32, #tpu.memory_space<hbm>> -> memref<3x640xf32, #tpu.memory_space<hbm>>
      %dma_wait3A_31 = arith.constant 0 : i32
      %dma_wait3A_32 = tpu.memref_slice %arg2[%run_scoped3A_4, %dma_wait3A_31, %multiple_of3A] : memref<2x3x20480xf32, #tpu.memory_space<hbm>> -> memref<1x3x640xf32, #tpu.memory_space<hbm>>
      %dma_wait3A_33 = tpu.memref_squeeze %dma_wait3A_32 : memref<1x3x640xf32, #tpu.memory_space<hbm>> -> memref<3x640xf32, #tpu.memory_space<hbm>>
      tpu.wait_dma2 semaphore(%run_scoped3A_23 : memref<!tpu.dma_semaphore, #tpu.memory_space<semaphore_mem>>) src(%dma_wait3A_33 : memref<3x640xf32, #tpu.memory_space<hbm>>) dst(%arg9 : memref<3x640xf32, #tpu.memory_space<vmem>>)
      tpu.yield
    }) : () -> ()
    %run_scoped3A_5 = arith.constant 0 : i32
    "tpu.region"() ({
      %run_scoped3A_23 = tpu.sem_alloc : memref<!tpu.dma_semaphore, #tpu.memory_space<semaphore_mem>>
      %dma_start3A = arith.constant 0 : i32
      %dma_start3A_24 = tpu.memref_slice %arg4[%run_scoped3A_5, %dma_start3A, %multiple_of3A] : memref<2x3x20480xi32, #tpu.memory_space<hbm>> -> memref<1x3x640xi32, #tpu.memory_space<hbm>>
      %dma_start3A_25 = tpu.memref_squeeze %dma_start3A_24 : memref<1x3x640xi32, #tpu.memory_space<hbm>> -> memref<3x640xi32, #tpu.memory_space<hbm>>
      %dma_start3A_26 = arith.constant 0 : i32
      %dma_start3A_27 = tpu.memref_slice %arg4[%run_scoped3A_5, %dma_start3A_26, %multiple_of3A] : memref<2x3x20480xi32, #tpu.memory_space<hbm>> -> memref<1x3x640xi32, #tpu.memory_space<hbm>>
      %dma_start3A_28 = tpu.memref_squeeze %dma_start3A_27 : memref<1x3x640xi32, #tpu.memory_space<hbm>> -> memref<3x640xi32, #tpu.memory_space<hbm>>
      tpu.enqueue_dma source(%dma_start3A_28 : memref<3x640xi32, #tpu.memory_space<hbm>>) target(%arg10 : memref<3x640xi32, #tpu.memory_space<vmem>>) target_semaphore(%run_scoped3A_23 : memref<!tpu.dma_semaphore, #tpu.memory_space<semaphore_mem>>)
      %dma_wait3A = arith.constant 0 : i32
      %dma_wait3A_29 = tpu.memref_slice %arg4[%run_scoped3A_5, %dma_wait3A, %multiple_of3A] : memref<2x3x20480xi32, #tpu.memory_space<hbm>> -> memref<1x3x640xi32, #tpu.memory_space<hbm>>
      %dma_wait3A_30 = tpu.memref_squeeze %dma_wait3A_29 : memref<1x3x640xi32, #tpu.memory_space<hbm>> -> memref<3x640xi32, #tpu.memory_space<hbm>>
      %dma_wait3A_31 = arith.constant 0 : i32
      %dma_wait3A_32 = tpu.memref_slice %arg4[%run_scoped3A_5, %dma_wait3A_31, %multiple_of3A] : memref<2x3x20480xi32, #tpu.memory_space<hbm>> -> memref<1x3x640xi32, #tpu.memory_space<hbm>>
      %dma_wait3A_33 = tpu.memref_squeeze %dma_wait3A_32 : memref<1x3x640xi32, #tpu.memory_space<hbm>> -> memref<3x640xi32, #tpu.memory_space<hbm>>
      tpu.wait_dma2 semaphore(%run_scoped3A_23 : memref<!tpu.dma_semaphore, #tpu.memory_space<semaphore_mem>>) src(%dma_wait3A_33 : memref<3x640xi32, #tpu.memory_space<hbm>>) dst(%arg10 : memref<3x640xi32, #tpu.memory_space<vmem>>)
      tpu.yield
    }) : () -> ()
    %scan3A = arith.constant 0 : i32
    %scan3A_6 = arith.constant 0 : i32
    %scan3A_7 = arith.constant 40 : i32
    %scan3A_8 = arith.addi %scan3A_6, %scan3A_7 : i32
    %scan3A_9 = arith.constant 1 : i32
    scf.for %scan3A_23 = %scan3A_6 to %scan3A_8 step %scan3A_9  : i32 {
      %mul3A_24 = arith.constant 16 : i32
      %mul3A_25 = arith.muli %scan3A_23, %mul3A_24 : i32
      %multiple_of3A_26 = tpu.assume_multiple %mul3A_25, 16 : i32
      %get3A = arith.constant 0 : i32
      %get3A_27 = arith.index_cast %get3A : i32 to index
      %get3A_28 = arith.index_cast %multiple_of3A_26 : i32 to index
      %get3A_29 = tpu.vector_load %arg10[%get3A_27, %get3A_28] {strides = array<i32>} : memref<3x640xi32, #tpu.memory_space<vmem>>, vector<16xi32>,
      %get3A_30 = arith.constant 1 : i32
      %get3A_31 = arith.index_cast %get3A_30 : i32 to index
      %get3A_32 = arith.index_cast %multiple_of3A_26 : i32 to index
      %get3A_33 = tpu.vector_load %arg10[%get3A_31, %get3A_32] {strides = array<i32>} : memref<3x640xi32, #tpu.memory_space<vmem>>, vector<16xi32>,
      %get3A_34 = arith.constant 2 : i32
      %get3A_35 = arith.index_cast %get3A_34 : i32 to index
      %get3A_36 = arith.index_cast %multiple_of3A_26 : i32 to index
      %get3A_37 = tpu.vector_load %arg10[%get3A_35, %get3A_36] {strides = array<i32>} : memref<3x640xi32, #tpu.memory_space<vmem>>, vector<16xi32>,
      %get3A_38 = arith.constant 0 : i32
      %get3A_39 = arith.index_cast %get3A_38 : i32 to index
      %get3A_40 = arith.index_cast %multiple_of3A_26 : i32 to index
      %get3A_41 = tpu.vector_load %arg9[%get3A_39, %get3A_40] {strides = array<i32>} : memref<3x640xf32, #tpu.memory_space<vmem>>, vector<16xf32>,
      %get3A_42 = arith.constant 1 : i32
      %get3A_43 = arith.index_cast %get3A_42 : i32 to index
      %get3A_44 = arith.index_cast %multiple_of3A_26 : i32 to index
      %get3A_45 = tpu.vector_load %arg9[%get3A_43, %get3A_44] {strides = array<i32>} : memref<3x640xf32, #tpu.memory_space<vmem>>, vector<16xf32>,
      %get3A_46 = arith.constant 2 : i32
      %get3A_47 = arith.index_cast %get3A_46 : i32 to index
      %get3A_48 = arith.index_cast %multiple_of3A_26 : i32 to index
      %get3A_49 = tpu.vector_load %arg9[%get3A_47, %get3A_48] {strides = array<i32>} : memref<3x640xf32, #tpu.memory_space<vmem>>, vector<16xf32>,
      %broadcast_in_dim3A = arith.constant 0.000000e+00 : f32
      %broadcast_in_dim3A_50 = vector.broadcast %broadcast_in_dim3A : f32 to vector<16xf32>
      %add3A_51 = arith.constant 0 : i32
      %add3A_52 = vector.broadcast %add3A_51 : i32 to vector<16xi32>
      %add3A_53 = arith.addi %get3A_29, %add3A_52 : vector<16xi32>
      %gather3A = tpu.vector_load_idx %arg8[%add3A_53] : memref<768xf32, #tpu.memory_space<vmem>>[vector<16xi32>], vector<16xf32>,
      %sub3A = arith.subf %get3A_41, %gather3A : vector<16xf32>
      %mul3A_54 = arith.mulf %sub3A, %sub3A : vector<16xf32>
      %add3A_55 = arith.addf %broadcast_in_dim3A_50, %mul3A_54 : vector<16xf32>
      %add3A_56 = arith.constant 256 : i32
      %add3A_57 = vector.broadcast %add3A_56 : i32 to vector<16xi32>
      %add3A_58 = arith.addi %get3A_29, %add3A_57 : vector<16xi32>
      %gather3A_59 = tpu.vector_load_idx %arg8[%add3A_58] : memref<768xf32, #tpu.memory_space<vmem>>[vector<16xi32>], vector<16xf32>,
      %sub3A_60 = arith.subf %get3A_45, %gather3A_59 : vector<16xf32>
      %mul3A_61 = arith.mulf %sub3A_60, %sub3A_60 : vector<16xf32>
      %add3A_62 = arith.addf %add3A_55, %mul3A_61 : vector<16xf32>
      %add3A_63 = arith.constant 512 : i32
      %add3A_64 = vector.broadcast %add3A_63 : i32 to vector<16xi32>
      %add3A_65 = arith.addi %get3A_29, %add3A_64 : vector<16xi32>
      %gather3A_66 = tpu.vector_load_idx %arg8[%add3A_65] : memref<768xf32, #tpu.memory_space<vmem>>[vector<16xi32>], vector<16xf32>,
      %sub3A_67 = arith.subf %get3A_49, %gather3A_66 : vector<16xf32>
      %mul3A_68 = arith.mulf %sub3A_67, %sub3A_67 : vector<16xf32>
      %add3A_69 = arith.addf %add3A_62, %mul3A_68 : vector<16xf32>
      %bitcast_convert_type3A = tpu.bitcast %add3A_69 : vector<16xf32> -> vector<16xi32>
      %shift_right_logical3A = arith.constant 1 : i32
      %shift_right_logical3A_70 = vector.broadcast %shift_right_logical3A : i32 to vector<16xi32>
      %shift_right_logical3A_71 = arith.shrui %bitcast_convert_type3A, %shift_right_logical3A_70 : vector<16xi32>
      %sub3A_72 = arith.constant 1597463007 : i32
      %sub3A_73 = vector.broadcast %sub3A_72 : i32 to vector<16xi32>
      %sub3A_74 = arith.subi %sub3A_73, %shift_right_logical3A_71 : vector<16xi32>
      %bitcast_convert_type3A_75 = tpu.bitcast %sub3A_74 : vector<16xi32> -> vector<16xf32>
      %mul3A_76 = arith.constant 5.000000e-01 : f32
      %mul3A_77 = vector.broadcast %mul3A_76 : f32 to vector<16xf32>
      %mul3A_78 = arith.mulf %mul3A_77, %add3A_69 : vector<16xf32>
      %mul3A_79 = arith.mulf %mul3A_78, %bitcast_convert_type3A_75 : vector<16xf32>
      %mul3A_80 = arith.mulf %mul3A_79, %bitcast_convert_type3A_75 : vector<16xf32>
      %sub3A_81 = arith.constant 1.500000e+00 : f32
      %sub3A_82 = vector.broadcast %sub3A_81 : f32 to vector<16xf32>
      %sub3A_83 = arith.subf %sub3A_82, %mul3A_80 : vector<16xf32>
      %mul3A_84 = arith.mulf %bitcast_convert_type3A_75, %sub3A_83 : vector<16xf32>
      %mul3A_85 = arith.constant 5.000000e-01 : f32
      %mul3A_86 = vector.broadcast %mul3A_85 : f32 to vector<16xf32>
      %mul3A_87 = arith.mulf %mul3A_86, %add3A_69 : vector<16xf32>
      %mul3A_88 = arith.mulf %mul3A_87, %mul3A_84 : vector<16xf32>
      %mul3A_89 = arith.mulf %mul3A_88, %mul3A_84 : vector<16xf32>
      %sub3A_90 = arith.constant 1.500000e+00 : f32
      %sub3A_91 = vector.broadcast %sub3A_90 : f32 to vector<16xf32>
      %sub3A_92 = arith.subf %sub3A_91, %mul3A_89 : vector<16xf32>
      %mul3A_93 = arith.mulf %mul3A_84, %sub3A_92 : vector<16xf32>
      %mul3A_94 = arith.constant 5.000000e-01 : f32
      %mul3A_95 = vector.broadcast %mul3A_94 : f32 to vector<16xf32>
      %mul3A_96 = arith.mulf %mul3A_95, %add3A_69 : vector<16xf32>
      %mul3A_97 = arith.mulf %mul3A_96, %mul3A_93 : vector<16xf32>
      %mul3A_98 = arith.mulf %mul3A_97, %mul3A_93 : vector<16xf32>
      %sub3A_99 = arith.constant 1.500000e+00 : f32
      %sub3A_100 = vector.broadcast %sub3A_99 : f32 to vector<16xf32>
      %sub3A_101 = arith.subf %sub3A_100, %mul3A_98 : vector<16xf32>
      %mul3A_102 = arith.mulf %mul3A_93, %sub3A_101 : vector<16xf32>
      %mul3A_103 = arith.mulf %add3A_69, %mul3A_102 : vector<16xf32>
      %broadcast_in_dim3A_104 = arith.constant 0.000000e+00 : f32
      %broadcast_in_dim3A_105 = vector.broadcast %broadcast_in_dim3A_104 : f32 to vector<16xf32>
      %add3A_106 = arith.constant 0 : i32
      %add3A_107 = vector.broadcast %add3A_106 : i32 to vector<16xi32>
      %add3A_108 = arith.addi %get3A_33, %add3A_107 : vector<16xi32>
      %gather3A_109 = tpu.vector_load_idx %arg8[%add3A_108] : memref<768xf32, #tpu.memory_space<vmem>>[vector<16xi32>], vector<16xf32>,
      %sub3A_110 = arith.subf %get3A_41, %gather3A_109 : vector<16xf32>
      %mul3A_111 = arith.mulf %sub3A_110, %sub3A_110 : vector<16xf32>
      %add3A_112 = arith.addf %broadcast_in_dim3A_105, %mul3A_111 : vector<16xf32>
      %add3A_113 = arith.constant 256 : i32
      %add3A_114 = vector.broadcast %add3A_113 : i32 to vector<16xi32>
      %add3A_115 = arith.addi %get3A_33, %add3A_114 : vector<16xi32>
      %gather3A_116 = tpu.vector_load_idx %arg8[%add3A_115] : memref<768xf32, #tpu.memory_space<vmem>>[vector<16xi32>], vector<16xf32>,
      %sub3A_117 = arith.subf %get3A_45, %gather3A_116 : vector<16xf32>
      %mul3A_118 = arith.mulf %sub3A_117, %sub3A_117 : vector<16xf32>
      %add3A_119 = arith.addf %add3A_112, %mul3A_118 : vector<16xf32>
      %add3A_120 = arith.constant 512 : i32
      %add3A_121 = vector.broadcast %add3A_120 : i32 to vector<16xi32>
      %add3A_122 = arith.addi %get3A_33, %add3A_121 : vector<16xi32>
      %gather3A_123 = tpu.vector_load_idx %arg8[%add3A_122] : memref<768xf32, #tpu.memory_space<vmem>>[vector<16xi32>], vector<16xf32>,
      %sub3A_124 = arith.subf %get3A_49, %gather3A_123 : vector<16xf32>
      %mul3A_125 = arith.mulf %sub3A_124, %sub3A_124 : vector<16xf32>
      %add3A_126 = arith.addf %add3A_119, %mul3A_125 : vector<16xf32>
      %bitcast_convert_type3A_127 = tpu.bitcast %add3A_126 : vector<16xf32> -> vector<16xi32>
      %shift_right_logical3A_128 = arith.constant 1 : i32
      %shift_right_logical3A_129 = vector.broadcast %shift_right_logical3A_128 : i32 to vector<16xi32>
      %shift_right_logical3A_130 = arith.shrui %bitcast_convert_type3A_127, %shift_right_logical3A_129 : vector<16xi32>
      %sub3A_131 = arith.constant 1597463007 : i32
      %sub3A_132 = vector.broadcast %sub3A_131 : i32 to vector<16xi32>
      %sub3A_133 = arith.subi %sub3A_132, %shift_right_logical3A_130 : vector<16xi32>
      %bitcast_convert_type3A_134 = tpu.bitcast %sub3A_133 : vector<16xi32> -> vector<16xf32>
      %mul3A_135 = arith.constant 5.000000e-01 : f32
      %mul3A_136 = vector.broadcast %mul3A_135 : f32 to vector<16xf32>
      %mul3A_137 = arith.mulf %mul3A_136, %add3A_126 : vector<16xf32>
      %mul3A_138 = arith.mulf %mul3A_137, %bitcast_convert_type3A_134 : vector<16xf32>
      %mul3A_139 = arith.mulf %mul3A_138, %bitcast_convert_type3A_134 : vector<16xf32>
      %sub3A_140 = arith.constant 1.500000e+00 : f32
      %sub3A_141 = vector.broadcast %sub3A_140 : f32 to vector<16xf32>
      %sub3A_142 = arith.subf %sub3A_141, %mul3A_139 : vector<16xf32>
      %mul3A_143 = arith.mulf %bitcast_convert_type3A_134, %sub3A_142 : vector<16xf32>
      %mul3A_144 = arith.constant 5.000000e-01 : f32
      %mul3A_145 = vector.broadcast %mul3A_144 : f32 to vector<16xf32>
      %mul3A_146 = arith.mulf %mul3A_145, %add3A_126 : vector<16xf32>
      %mul3A_147 = arith.mulf %mul3A_146, %mul3A_143 : vector<16xf32>
      %mul3A_148 = arith.mulf %mul3A_147, %mul3A_143 : vector<16xf32>
      %sub3A_149 = arith.constant 1.500000e+00 : f32
      %sub3A_150 = vector.broadcast %sub3A_149 : f32 to vector<16xf32>
      %sub3A_151 = arith.subf %sub3A_150, %mul3A_148 : vector<16xf32>
      %mul3A_152 = arith.mulf %mul3A_143, %sub3A_151 : vector<16xf32>
      %mul3A_153 = arith.constant 5.000000e-01 : f32
      %mul3A_154 = vector.broadcast %mul3A_153 : f32 to vector<16xf32>
      %mul3A_155 = arith.mulf %mul3A_154, %add3A_126 : vector<16xf32>
      %mul3A_156 = arith.mulf %mul3A_155, %mul3A_152 : vector<16xf32>
      %mul3A_157 = arith.mulf %mul3A_156, %mul3A_152 : vector<16xf32>
      %sub3A_158 = arith.constant 1.500000e+00 : f32
      %sub3A_159 = vector.broadcast %sub3A_158 : f32 to vector<16xf32>
      %sub3A_160 = arith.subf %sub3A_159, %mul3A_157 : vector<16xf32>
      %mul3A_161 = arith.mulf %mul3A_152, %sub3A_160 : vector<16xf32>
      %mul3A_162 = arith.mulf %add3A_126, %mul3A_161 : vector<16xf32>
      %broadcast_in_dim3A_163 = arith.constant 0.000000e+00 : f32
      %broadcast_in_dim3A_164 = vector.broadcast %broadcast_in_dim3A_163 : f32 to vector<16xf32>
      %add3A_165 = arith.constant 0 : i32
      %add3A_166 = vector.broadcast %add3A_165 : i32 to vector<16xi32>
      %add3A_167 = arith.addi %get3A_37, %add3A_166 : vector<16xi32>
      %gather3A_168 = tpu.vector_load_idx %arg8[%add3A_167] : memref<768xf32, #tpu.memory_space<vmem>>[vector<16xi32>], vector<16xf32>,
      %sub3A_169 = arith.subf %get3A_41, %gather3A_168 : vector<16xf32>
      %mul3A_170 = arith.mulf %sub3A_169, %sub3A_169 : vector<16xf32>
      %add3A_171 = arith.addf %broadcast_in_dim3A_164, %mul3A_170 : vector<16xf32>
      %add3A_172 = arith.constant 256 : i32
      %add3A_173 = vector.broadcast %add3A_172 : i32 to vector<16xi32>
      %add3A_174 = arith.addi %get3A_37, %add3A_173 : vector<16xi32>
      %gather3A_175 = tpu.vector_load_idx %arg8[%add3A_174] : memref<768xf32, #tpu.memory_space<vmem>>[vector<16xi32>], vector<16xf32>,
      %sub3A_176 = arith.subf %get3A_45, %gather3A_175 : vector<16xf32>
      %mul3A_177 = arith.mulf %sub3A_176, %sub3A_176 : vector<16xf32>
      %add3A_178 = arith.addf %add3A_171, %mul3A_177 : vector<16xf32>
      %add3A_179 = arith.constant 512 : i32
      %add3A_180 = vector.broadcast %add3A_179 : i32 to vector<16xi32>
      %add3A_181 = arith.addi %get3A_37, %add3A_180 : vector<16xi32>
      %gather3A_182 = tpu.vector_load_idx %arg8[%add3A_181] : memref<768xf32, #tpu.memory_space<vmem>>[vector<16xi32>], vector<16xf32>,
      %sub3A_183 = arith.subf %get3A_49, %gather3A_182 : vector<16xf32>
      %mul3A_184 = arith.mulf %sub3A_183, %sub3A_183 : vector<16xf32>
      %add3A_185 = arith.addf %add3A_178, %mul3A_184 : vector<16xf32>
      %bitcast_convert_type3A_186 = tpu.bitcast %add3A_185 : vector<16xf32> -> vector<16xi32>
      %shift_right_logical3A_187 = arith.constant 1 : i32
      %shift_right_logical3A_188 = vector.broadcast %shift_right_logical3A_187 : i32 to vector<16xi32>
      %shift_right_logical3A_189 = arith.shrui %bitcast_convert_type3A_186, %shift_right_logical3A_188 : vector<16xi32>
      %sub3A_190 = arith.constant 1597463007 : i32
      %sub3A_191 = vector.broadcast %sub3A_190 : i32 to vector<16xi32>
      %sub3A_192 = arith.subi %sub3A_191, %shift_right_logical3A_189 : vector<16xi32>
      %bitcast_convert_type3A_193 = tpu.bitcast %sub3A_192 : vector<16xi32> -> vector<16xf32>
      %mul3A_194 = arith.constant 5.000000e-01 : f32
      %mul3A_195 = vector.broadcast %mul3A_194 : f32 to vector<16xf32>
      %mul3A_196 = arith.mulf %mul3A_195, %add3A_185 : vector<16xf32>
      %mul3A_197 = arith.mulf %mul3A_196, %bitcast_convert_type3A_193 : vector<16xf32>
      %mul3A_198 = arith.mulf %mul3A_197, %bitcast_convert_type3A_193 : vector<16xf32>
      %sub3A_199 = arith.constant 1.500000e+00 : f32
      %sub3A_200 = vector.broadcast %sub3A_199 : f32 to vector<16xf32>
      %sub3A_201 = arith.subf %sub3A_200, %mul3A_198 : vector<16xf32>
      %mul3A_202 = arith.mulf %bitcast_convert_type3A_193, %sub3A_201 : vector<16xf32>
      %mul3A_203 = arith.constant 5.000000e-01 : f32
      %mul3A_204 = vector.broadcast %mul3A_203 : f32 to vector<16xf32>
      %mul3A_205 = arith.mulf %mul3A_204, %add3A_185 : vector<16xf32>
      %mul3A_206 = arith.mulf %mul3A_205, %mul3A_202 : vector<16xf32>
      %mul3A_207 = arith.mulf %mul3A_206, %mul3A_202 : vector<16xf32>
      %sub3A_208 = arith.constant 1.500000e+00 : f32
      %sub3A_209 = vector.broadcast %sub3A_208 : f32 to vector<16xf32>
      %sub3A_210 = arith.subf %sub3A_209, %mul3A_207 : vector<16xf32>
      %mul3A_211 = arith.mulf %mul3A_202, %sub3A_210 : vector<16xf32>
      %mul3A_212 = arith.constant 5.000000e-01 : f32
      %mul3A_213 = vector.broadcast %mul3A_212 : f32 to vector<16xf32>
      %mul3A_214 = arith.mulf %mul3A_213, %add3A_185 : vector<16xf32>
      %mul3A_215 = arith.mulf %mul3A_214, %mul3A_211 : vector<16xf32>
      %mul3A_216 = arith.mulf %mul3A_215, %mul3A_211 : vector<16xf32>
      %sub3A_217 = arith.constant 1.500000e+00 : f32
      %sub3A_218 = vector.broadcast %sub3A_217 : f32 to vector<16xf32>
      %sub3A_219 = arith.subf %sub3A_218, %mul3A_216 : vector<16xf32>
      %mul3A_220 = arith.mulf %mul3A_211, %sub3A_219 : vector<16xf32>
      %mul3A_221 = arith.mulf %add3A_185, %mul3A_220 : vector<16xf32>
      %add3A_222 = arith.addf %mul3A_103, %mul3A_162 : vector<16xf32>
      %add3A_223 = arith.addf %add3A_222, %mul3A_221 : vector<16xf32>
      %div3A = arith.divf %mul3A_103, %add3A_223 : vector<16xf32>
      %sub3A_224 = arith.constant 1.000000e+00 : f32
      %sub3A_225 = vector.broadcast %sub3A_224 : f32 to vector<16xf32>
      %sub3A_226 = arith.subf %sub3A_225, %div3A : vector<16xf32>
      %div3A_227 = arith.divf %mul3A_162, %add3A_223 : vector<16xf32>
      %sub3A_228 = arith.constant 1.000000e+00 : f32
      %sub3A_229 = vector.broadcast %sub3A_228 : f32 to vector<16xf32>
      %sub3A_230 = arith.subf %sub3A_229, %div3A_227 : vector<16xf32>
      %div3A_231 = arith.divf %mul3A_221, %add3A_223 : vector<16xf32>
      %sub3A_232 = arith.constant 1.000000e+00 : f32
      %sub3A_233 = vector.broadcast %sub3A_232 : f32 to vector<16xf32>
      %sub3A_234 = arith.subf %sub3A_233, %div3A_231 : vector<16xf32>
      %mul3A_235 = arith.constant 128 : i32
      %mul3A_236 = vector.broadcast %mul3A_235 : i32 to vector<16xi32>
      %mul3A_237 = arith.muli %get3A_29, %mul3A_236 : vector<16xi32>
      %mul3A_238 = arith.constant 128 : i32
      %mul3A_239 = vector.broadcast %mul3A_238 : i32 to vector<16xi32>
      %mul3A_240 = arith.muli %get3A_33, %mul3A_239 : vector<16xi32>
      %mul3A_241 = arith.constant 128 : i32
      %mul3A_242 = vector.broadcast %mul3A_241 : i32 to vector<16xi32>
      %mul3A_243 = arith.muli %get3A_37, %mul3A_242 : vector<16xi32>
      %parallel_loop3A = arith.constant 0 : i32
      %parallel_loop3A_244 = arith.constant 128 : i32
      %parallel_loop3A_245 = arith.constant 1 : i32
      scf.for %parallel_loop3A_246 = %parallel_loop3A to %parallel_loop3A_244 step %parallel_loop3A_245  : i32 {
        %parallel_loop3A_247 = vector.broadcast %parallel_loop3A_246 : i32 to vector<16xi32>
        %parallel_loop3A_248 = arith.addi %mul3A_237, %parallel_loop3A_247 : vector<16xi32>
        %parallel_loop3A_249 = tpu.vector_load_idx %arg7[%parallel_loop3A_248] : memref<32768xf32, #tpu.memory_space<vmem>>[vector<16xi32>], vector<16xf32>,
        %parallel_loop3A_250 = arith.mulf %sub3A_226, %parallel_loop3A_249 : vector<16xf32>
        %parallel_loop3A_251 = vector.broadcast %parallel_loop3A_246 : i32 to vector<16xi32>
        %parallel_loop3A_252 = arith.addi %mul3A_240, %parallel_loop3A_251 : vector<16xi32>
        %parallel_loop3A_253 = tpu.vector_load_idx %arg7[%parallel_loop3A_252] : memref<32768xf32, #tpu.memory_space<vmem>>[vector<16xi32>], vector<16xf32>,
        %parallel_loop3A_254 = arith.mulf %sub3A_230, %parallel_loop3A_253 : vector<16xf32>
        %parallel_loop3A_255 = arith.addf %parallel_loop3A_250, %parallel_loop3A_254 : vector<16xf32>
        %parallel_loop3A_256 = vector.broadcast %parallel_loop3A_246 : i32 to vector<16xi32>
        %parallel_loop3A_257 = arith.addi %mul3A_243, %parallel_loop3A_256 : vector<16xi32>
        %parallel_loop3A_258 = tpu.vector_load_idx %arg7[%parallel_loop3A_257] : memref<32768xf32, #tpu.memory_space<vmem>>[vector<16xi32>], vector<16xf32>,
        %parallel_loop3A_259 = arith.mulf %sub3A_234, %parallel_loop3A_258 : vector<16xf32>
        %parallel_loop3A_260 = arith.addf %parallel_loop3A_255, %parallel_loop3A_259 : vector<16xf32>
        %parallel_loop3A_261 = vector.broadcast %parallel_loop3A_246 : i32 to vector<16xi32>
        %parallel_loop3A_262 = vector.broadcast %multiple_of3A_26 : i32 to vector<16xi32>
        %parallel_loop3A_263 = arith.addi %iota3A, %parallel_loop3A_262 : vector<16xi32>
        tpu.vector_store_idx %arg11[%parallel_loop3A_261, %parallel_loop3A_263], %parallel_loop3A_260 : memref<128x640xf32, #tpu.memory_space<vmem>>[vector<16xi32>, vector<16xi32>], vector<16xf32>,
      } {sc.loop_unroll_factor = 4 : i64, sc.parallel_access}
    }
    %scan3A_10 = arith.constant 40 : i32
    %run_scoped3A_11 = arith.constant 0 : i32
    "tpu.region"() ({
      %run_scoped3A_23 = tpu.sem_alloc : memref<!tpu.dma_semaphore, #tpu.memory_space<semaphore_mem>>
      %dma_start3A = arith.constant 0 : i32
      %dma_start3A_24 = tpu.memref_slice %arg6[%run_scoped3A_11, %dma_start3A, %multiple_of3A] : memref<2x128x20480xf32, #tpu.memory_space<hbm>> -> memref<1x128x640xf32, #tpu.memory_space<hbm>>
      %dma_start3A_25 = tpu.memref_squeeze %dma_start3A_24 : memref<1x128x640xf32, #tpu.memory_space<hbm>> -> memref<128x640xf32, #tpu.memory_space<hbm>>
      %dma_start3A_26 = arith.constant 0 : i32
      %dma_start3A_27 = tpu.memref_slice %arg6[%run_scoped3A_11, %dma_start3A_26, %multiple_of3A] : memref<2x128x20480xf32, #tpu.memory_space<hbm>> -> memref<1x128x640xf32, #tpu.memory_space<hbm>>
      %dma_start3A_28 = tpu.memref_squeeze %dma_start3A_27 : memref<1x128x640xf32, #tpu.memory_space<hbm>> -> memref<128x640xf32, #tpu.memory_space<hbm>>
      tpu.enqueue_dma source(%arg11 : memref<128x640xf32, #tpu.memory_space<vmem>>) target(%dma_start3A_28 : memref<128x640xf32, #tpu.memory_space<hbm>>) target_semaphore(%run_scoped3A_23 : memref<!tpu.dma_semaphore, #tpu.memory_space<semaphore_mem>>)
      %dma_wait3A = arith.constant 0 : i32
      %dma_wait3A_29 = tpu.memref_slice %arg6[%run_scoped3A_11, %dma_wait3A, %multiple_of3A] : memref<2x128x20480xf32, #tpu.memory_space<hbm>> -> memref<1x128x640xf32, #tpu.memory_space<hbm>>
      %dma_wait3A_30 = tpu.memref_squeeze %dma_wait3A_29 : memref<1x128x640xf32, #tpu.memory_space<hbm>> -> memref<128x640xf32, #tpu.memory_space<hbm>>
      %dma_wait3A_31 = arith.constant 0 : i32
      %dma_wait3A_32 = tpu.memref_slice %arg6[%run_scoped3A_11, %dma_wait3A_31, %multiple_of3A] : memref<2x128x20480xf32, #tpu.memory_space<hbm>> -> memref<1x128x640xf32, #tpu.memory_space<hbm>>
      %dma_wait3A_33 = tpu.memref_squeeze %dma_wait3A_32 : memref<1x128x640xf32, #tpu.memory_space<hbm>> -> memref<128x640xf32, #tpu.memory_space<hbm>>
      tpu.wait_dma2 semaphore(%run_scoped3A_23 : memref<!tpu.dma_semaphore, #tpu.memory_space<semaphore_mem>>) src(%arg11 : memref<128x640xf32, #tpu.memory_space<vmem>>) dst(%dma_wait3A_33 : memref<128x640xf32, #tpu.memory_space<hbm>>)
      tpu.yield
    }) : () -> ()
    %run_scoped3A_12 = arith.constant 1 : i32
    "tpu.region"() ({
      %run_scoped3A_23 = tpu.sem_alloc : memref<!tpu.dma_semaphore, #tpu.memory_space<semaphore_mem>>
      %dma_start3A = arith.constant 0 : i32
      %dma_start3A_24 = tpu.memref_slice %arg5[%run_scoped3A_12, %dma_start3A] : memref<2x32768xf32, #tpu.memory_space<hbm>> -> memref<1x32768xf32, #tpu.memory_space<hbm>>
      %dma_start3A_25 = tpu.memref_squeeze %dma_start3A_24 : memref<1x32768xf32, #tpu.memory_space<hbm>> -> memref<32768xf32, #tpu.memory_space<hbm>>
      %dma_start3A_26 = arith.constant 0 : i32
      %dma_start3A_27 = tpu.memref_slice %arg5[%run_scoped3A_12, %dma_start3A_26] : memref<2x32768xf32, #tpu.memory_space<hbm>> -> memref<1x32768xf32, #tpu.memory_space<hbm>>
      %dma_start3A_28 = tpu.memref_squeeze %dma_start3A_27 : memref<1x32768xf32, #tpu.memory_space<hbm>> -> memref<32768xf32, #tpu.memory_space<hbm>>
      tpu.enqueue_dma source(%dma_start3A_28 : memref<32768xf32, #tpu.memory_space<hbm>>) target(%arg7 : memref<32768xf32, #tpu.memory_space<vmem>>) target_semaphore(%run_scoped3A_23 : memref<!tpu.dma_semaphore, #tpu.memory_space<semaphore_mem>>)
      %dma_wait3A = arith.constant 0 : i32
      %dma_wait3A_29 = tpu.memref_slice %arg5[%run_scoped3A_12, %dma_wait3A] : memref<2x32768xf32, #tpu.memory_space<hbm>> -> memref<1x32768xf32, #tpu.memory_space<hbm>>
      %dma_wait3A_30 = tpu.memref_squeeze %dma_wait3A_29 : memref<1x32768xf32, #tpu.memory_space<hbm>> -> memref<32768xf32, #tpu.memory_space<hbm>>
      %dma_wait3A_31 = arith.constant 0 : i32
      %dma_wait3A_32 = tpu.memref_slice %arg5[%run_scoped3A_12, %dma_wait3A_31] : memref<2x32768xf32, #tpu.memory_space<hbm>> -> memref<1x32768xf32, #tpu.memory_space<hbm>>
      %dma_wait3A_33 = tpu.memref_squeeze %dma_wait3A_32 : memref<1x32768xf32, #tpu.memory_space<hbm>> -> memref<32768xf32, #tpu.memory_space<hbm>>
      tpu.wait_dma2 semaphore(%run_scoped3A_23 : memref<!tpu.dma_semaphore, #tpu.memory_space<semaphore_mem>>) src(%dma_wait3A_33 : memref<32768xf32, #tpu.memory_space<hbm>>) dst(%arg7 : memref<32768xf32, #tpu.memory_space<vmem>>)
      tpu.yield
    }) : () -> ()
    %run_scoped3A_13 = arith.constant 1 : i32
    "tpu.region"() ({
      %run_scoped3A_23 = tpu.sem_alloc : memref<!tpu.dma_semaphore, #tpu.memory_space<semaphore_mem>>
      %dma_start3A = arith.constant 0 : i32
      %dma_start3A_24 = tpu.memref_slice %arg3[%run_scoped3A_13, %dma_start3A] : memref<2x768xf32, #tpu.memory_space<hbm>> -> memref<1x768xf32, #tpu.memory_space<hbm>>
      %dma_start3A_25 = tpu.memref_squeeze %dma_start3A_24 : memref<1x768xf32, #tpu.memory_space<hbm>> -> memref<768xf32, #tpu.memory_space<hbm>>
      %dma_start3A_26 = arith.constant 0 : i32
      %dma_start3A_27 = tpu.memref_slice %arg3[%run_scoped3A_13, %dma_start3A_26] : memref<2x768xf32, #tpu.memory_space<hbm>> -> memref<1x768xf32, #tpu.memory_space<hbm>>
      %dma_start3A_28 = tpu.memref_squeeze %dma_start3A_27 : memref<1x768xf32, #tpu.memory_space<hbm>> -> memref<768xf32, #tpu.memory_space<hbm>>
      tpu.enqueue_dma source(%dma_start3A_28 : memref<768xf32, #tpu.memory_space<hbm>>) target(%arg8 : memref<768xf32, #tpu.memory_space<vmem>>) target_semaphore(%run_scoped3A_23 : memref<!tpu.dma_semaphore, #tpu.memory_space<semaphore_mem>>)
      %dma_wait3A = arith.constant 0 : i32
      %dma_wait3A_29 = tpu.memref_slice %arg3[%run_scoped3A_13, %dma_wait3A] : memref<2x768xf32, #tpu.memory_space<hbm>> -> memref<1x768xf32, #tpu.memory_space<hbm>>
      %dma_wait3A_30 = tpu.memref_squeeze %dma_wait3A_29 : memref<1x768xf32, #tpu.memory_space<hbm>> -> memref<768xf32, #tpu.memory_space<hbm>>
      %dma_wait3A_31 = arith.constant 0 : i32
      %dma_wait3A_32 = tpu.memref_slice %arg3[%run_scoped3A_13, %dma_wait3A_31] : memref<2x768xf32, #tpu.memory_space<hbm>> -> memref<1x768xf32, #tpu.memory_space<hbm>>
      %dma_wait3A_33 = tpu.memref_squeeze %dma_wait3A_32 : memref<1x768xf32, #tpu.memory_space<hbm>> -> memref<768xf32, #tpu.memory_space<hbm>>
      tpu.wait_dma2 semaphore(%run_scoped3A_23 : memref<!tpu.dma_semaphore, #tpu.memory_space<semaphore_mem>>) src(%dma_wait3A_33 : memref<768xf32, #tpu.memory_space<hbm>>) dst(%arg8 : memref<768xf32, #tpu.memory_space<vmem>>)
      tpu.yield
    }) : () -> ()
    %run_scoped3A_14 = arith.constant 1 : i32
    "tpu.region"() ({
      %run_scoped3A_23 = tpu.sem_alloc : memref<!tpu.dma_semaphore, #tpu.memory_space<semaphore_mem>>
      %dma_start3A = arith.constant 0 : i32
      %dma_start3A_24 = tpu.memref_slice %arg2[%run_scoped3A_14, %dma_start3A, %multiple_of3A] : memref<2x3x20480xf32, #tpu.memory_space<hbm>> -> memref<1x3x640xf32, #tpu.memory_space<hbm>>
      %dma_start3A_25 = tpu.memref_squeeze %dma_start3A_24 : memref<1x3x640xf32, #tpu.memory_space<hbm>> -> memref<3x640xf32, #tpu.memory_space<hbm>>
      %dma_start3A_26 = arith.constant 0 : i32
      %dma_start3A_27 = tpu.memref_slice %arg2[%run_scoped3A_14, %dma_start3A_26, %multiple_of3A] : memref<2x3x20480xf32, #tpu.memory_space<hbm>> -> memref<1x3x640xf32, #tpu.memory_space<hbm>>
      %dma_start3A_28 = tpu.memref_squeeze %dma_start3A_27 : memref<1x3x640xf32, #tpu.memory_space<hbm>> -> memref<3x640xf32, #tpu.memory_space<hbm>>
      tpu.enqueue_dma source(%dma_start3A_28 : memref<3x640xf32, #tpu.memory_space<hbm>>) target(%arg9 : memref<3x640xf32, #tpu.memory_space<vmem>>) target_semaphore(%run_scoped3A_23 : memref<!tpu.dma_semaphore, #tpu.memory_space<semaphore_mem>>)
      %dma_wait3A = arith.constant 0 : i32
      %dma_wait3A_29 = tpu.memref_slice %arg2[%run_scoped3A_14, %dma_wait3A, %multiple_of3A] : memref<2x3x20480xf32, #tpu.memory_space<hbm>> -> memref<1x3x640xf32, #tpu.memory_space<hbm>>
      %dma_wait3A_30 = tpu.memref_squeeze %dma_wait3A_29 : memref<1x3x640xf32, #tpu.memory_space<hbm>> -> memref<3x640xf32, #tpu.memory_space<hbm>>
      %dma_wait3A_31 = arith.constant 0 : i32
      %dma_wait3A_32 = tpu.memref_slice %arg2[%run_scoped3A_14, %dma_wait3A_31, %multiple_of3A] : memref<2x3x20480xf32, #tpu.memory_space<hbm>> -> memref<1x3x640xf32, #tpu.memory_space<hbm>>
      %dma_wait3A_33 = tpu.memref_squeeze %dma_wait3A_32 : memref<1x3x640xf32, #tpu.memory_space<hbm>> -> memref<3x640xf32, #tpu.memory_space<hbm>>
      tpu.wait_dma2 semaphore(%run_scoped3A_23 : memref<!tpu.dma_semaphore, #tpu.memory_space<semaphore_mem>>) src(%dma_wait3A_33 : memref<3x640xf32, #tpu.memory_space<hbm>>) dst(%arg9 : memref<3x640xf32, #tpu.memory_space<vmem>>)
      tpu.yield
    }) : () -> ()
    %run_scoped3A_15 = arith.constant 1 : i32
    "tpu.region"() ({
      %run_scoped3A_23 = tpu.sem_alloc : memref<!tpu.dma_semaphore, #tpu.memory_space<semaphore_mem>>
      %dma_start3A = arith.constant 0 : i32
      %dma_start3A_24 = tpu.memref_slice %arg4[%run_scoped3A_15, %dma_start3A, %multiple_of3A] : memref<2x3x20480xi32, #tpu.memory_space<hbm>> -> memref<1x3x640xi32, #tpu.memory_space<hbm>>
      %dma_start3A_25 = tpu.memref_squeeze %dma_start3A_24 : memref<1x3x640xi32, #tpu.memory_space<hbm>> -> memref<3x640xi32, #tpu.memory_space<hbm>>
      %dma_start3A_26 = arith.constant 0 : i32
      %dma_start3A_27 = tpu.memref_slice %arg4[%run_scoped3A_15, %dma_start3A_26, %multiple_of3A] : memref<2x3x20480xi32, #tpu.memory_space<hbm>> -> memref<1x3x640xi32, #tpu.memory_space<hbm>>
      %dma_start3A_28 = tpu.memref_squeeze %dma_start3A_27 : memref<1x3x640xi32, #tpu.memory_space<hbm>> -> memref<3x640xi32, #tpu.memory_space<hbm>>
      tpu.enqueue_dma source(%dma_start3A_28 : memref<3x640xi32, #tpu.memory_space<hbm>>) target(%arg10 : memref<3x640xi32, #tpu.memory_space<vmem>>) target_semaphore(%run_scoped3A_23 : memref<!tpu.dma_semaphore, #tpu.memory_space<semaphore_mem>>)
      %dma_wait3A = arith.constant 0 : i32
      %dma_wait3A_29 = tpu.memref_slice %arg4[%run_scoped3A_15, %dma_wait3A, %multiple_of3A] : memref<2x3x20480xi32, #tpu.memory_space<hbm>> -> memref<1x3x640xi32, #tpu.memory_space<hbm>>
      %dma_wait3A_30 = tpu.memref_squeeze %dma_wait3A_29 : memref<1x3x640xi32, #tpu.memory_space<hbm>> -> memref<3x640xi32, #tpu.memory_space<hbm>>
      %dma_wait3A_31 = arith.constant 0 : i32
      %dma_wait3A_32 = tpu.memref_slice %arg4[%run_scoped3A_15, %dma_wait3A_31, %multiple_of3A] : memref<2x3x20480xi32, #tpu.memory_space<hbm>> -> memref<1x3x640xi32, #tpu.memory_space<hbm>>
      %dma_wait3A_33 = tpu.memref_squeeze %dma_wait3A_32 : memref<1x3x640xi32, #tpu.memory_space<hbm>> -> memref<3x640xi32, #tpu.memory_space<hbm>>
      tpu.wait_dma2 semaphore(%run_scoped3A_23 : memref<!tpu.dma_semaphore, #tpu.memory_space<semaphore_mem>>) src(%dma_wait3A_33 : memref<3x640xi32, #tpu.memory_space<hbm>>) dst(%arg10 : memref<3x640xi32, #tpu.memory_space<vmem>>)
      tpu.yield
    }) : () -> ()
    %scan3A_16 = arith.constant 0 : i32
    %scan3A_17 = arith.constant 0 : i32
    %scan3A_18 = arith.constant 40 : i32
    %scan3A_19 = arith.addi %scan3A_17, %scan3A_18 : i32
    %scan3A_20 = arith.constant 1 : i32
    scf.for %scan3A_23 = %scan3A_17 to %scan3A_19 step %scan3A_20  : i32 {
      %mul3A_24 = arith.constant 16 : i32
      %mul3A_25 = arith.muli %scan3A_23, %mul3A_24 : i32
      %multiple_of3A_26 = tpu.assume_multiple %mul3A_25, 16 : i32
      %get3A = arith.constant 0 : i32
      %get3A_27 = arith.index_cast %get3A : i32 to index
      %get3A_28 = arith.index_cast %multiple_of3A_26 : i32 to index
      %get3A_29 = tpu.vector_load %arg10[%get3A_27, %get3A_28] {strides = array<i32>} : memref<3x640xi32, #tpu.memory_space<vmem>>, vector<16xi32>,
      %get3A_30 = arith.constant 1 : i32
      %get3A_31 = arith.index_cast %get3A_30 : i32 to index
      %get3A_32 = arith.index_cast %multiple_of3A_26 : i32 to index
      %get3A_33 = tpu.vector_load %arg10[%get3A_31, %get3A_32] {strides = array<i32>} : memref<3x640xi32, #tpu.memory_space<vmem>>, vector<16xi32>,
      %get3A_34 = arith.constant 2 : i32
      %get3A_35 = arith.index_cast %get3A_34 : i32 to index
      %get3A_36 = arith.index_cast %multiple_of3A_26 : i32 to index
      %get3A_37 = tpu.vector_load %arg10[%get3A_35, %get3A_36] {strides = array<i32>} : memref<3x640xi32, #tpu.memory_space<vmem>>, vector<16xi32>,
      %get3A_38 = arith.constant 0 : i32
      %get3A_39 = arith.index_cast %get3A_38 : i32 to index
      %get3A_40 = arith.index_cast %multiple_of3A_26 : i32 to index
      %get3A_41 = tpu.vector_load %arg9[%get3A_39, %get3A_40] {strides = array<i32>} : memref<3x640xf32, #tpu.memory_space<vmem>>, vector<16xf32>,
      %get3A_42 = arith.constant 1 : i32
      %get3A_43 = arith.index_cast %get3A_42 : i32 to index
      %get3A_44 = arith.index_cast %multiple_of3A_26 : i32 to index
      %get3A_45 = tpu.vector_load %arg9[%get3A_43, %get3A_44] {strides = array<i32>} : memref<3x640xf32, #tpu.memory_space<vmem>>, vector<16xf32>,
      %get3A_46 = arith.constant 2 : i32
      %get3A_47 = arith.index_cast %get3A_46 : i32 to index
      %get3A_48 = arith.index_cast %multiple_of3A_26 : i32 to index
      %get3A_49 = tpu.vector_load %arg9[%get3A_47, %get3A_48] {strides = array<i32>} : memref<3x640xf32, #tpu.memory_space<vmem>>, vector<16xf32>,
      %broadcast_in_dim3A = arith.constant 0.000000e+00 : f32
      %broadcast_in_dim3A_50 = vector.broadcast %broadcast_in_dim3A : f32 to vector<16xf32>
      %add3A_51 = arith.constant 0 : i32
      %add3A_52 = vector.broadcast %add3A_51 : i32 to vector<16xi32>
      %add3A_53 = arith.addi %get3A_29, %add3A_52 : vector<16xi32>
      %gather3A = tpu.vector_load_idx %arg8[%add3A_53] : memref<768xf32, #tpu.memory_space<vmem>>[vector<16xi32>], vector<16xf32>,
      %sub3A = arith.subf %get3A_41, %gather3A : vector<16xf32>
      %mul3A_54 = arith.mulf %sub3A, %sub3A : vector<16xf32>
      %add3A_55 = arith.addf %broadcast_in_dim3A_50, %mul3A_54 : vector<16xf32>
      %add3A_56 = arith.constant 256 : i32
      %add3A_57 = vector.broadcast %add3A_56 : i32 to vector<16xi32>
      %add3A_58 = arith.addi %get3A_29, %add3A_57 : vector<16xi32>
      %gather3A_59 = tpu.vector_load_idx %arg8[%add3A_58] : memref<768xf32, #tpu.memory_space<vmem>>[vector<16xi32>], vector<16xf32>,
      %sub3A_60 = arith.subf %get3A_45, %gather3A_59 : vector<16xf32>
      %mul3A_61 = arith.mulf %sub3A_60, %sub3A_60 : vector<16xf32>
      %add3A_62 = arith.addf %add3A_55, %mul3A_61 : vector<16xf32>
      %add3A_63 = arith.constant 512 : i32
      %add3A_64 = vector.broadcast %add3A_63 : i32 to vector<16xi32>
      %add3A_65 = arith.addi %get3A_29, %add3A_64 : vector<16xi32>
      %gather3A_66 = tpu.vector_load_idx %arg8[%add3A_65] : memref<768xf32, #tpu.memory_space<vmem>>[vector<16xi32>], vector<16xf32>,
      %sub3A_67 = arith.subf %get3A_49, %gather3A_66 : vector<16xf32>
      %mul3A_68 = arith.mulf %sub3A_67, %sub3A_67 : vector<16xf32>
      %add3A_69 = arith.addf %add3A_62, %mul3A_68 : vector<16xf32>
      %bitcast_convert_type3A = tpu.bitcast %add3A_69 : vector<16xf32> -> vector<16xi32>
      %shift_right_logical3A = arith.constant 1 : i32
      %shift_right_logical3A_70 = vector.broadcast %shift_right_logical3A : i32 to vector<16xi32>
      %shift_right_logical3A_71 = arith.shrui %bitcast_convert_type3A, %shift_right_logical3A_70 : vector<16xi32>
      %sub3A_72 = arith.constant 1597463007 : i32
      %sub3A_73 = vector.broadcast %sub3A_72 : i32 to vector<16xi32>
      %sub3A_74 = arith.subi %sub3A_73, %shift_right_logical3A_71 : vector<16xi32>
      %bitcast_convert_type3A_75 = tpu.bitcast %sub3A_74 : vector<16xi32> -> vector<16xf32>
      %mul3A_76 = arith.constant 5.000000e-01 : f32
      %mul3A_77 = vector.broadcast %mul3A_76 : f32 to vector<16xf32>
      %mul3A_78 = arith.mulf %mul3A_77, %add3A_69 : vector<16xf32>
      %mul3A_79 = arith.mulf %mul3A_78, %bitcast_convert_type3A_75 : vector<16xf32>
      %mul3A_80 = arith.mulf %mul3A_79, %bitcast_convert_type3A_75 : vector<16xf32>
      %sub3A_81 = arith.constant 1.500000e+00 : f32
      %sub3A_82 = vector.broadcast %sub3A_81 : f32 to vector<16xf32>
      %sub3A_83 = arith.subf %sub3A_82, %mul3A_80 : vector<16xf32>
      %mul3A_84 = arith.mulf %bitcast_convert_type3A_75, %sub3A_83 : vector<16xf32>
      %mul3A_85 = arith.constant 5.000000e-01 : f32
      %mul3A_86 = vector.broadcast %mul3A_85 : f32 to vector<16xf32>
      %mul3A_87 = arith.mulf %mul3A_86, %add3A_69 : vector<16xf32>
      %mul3A_88 = arith.mulf %mul3A_87, %mul3A_84 : vector<16xf32>
      %mul3A_89 = arith.mulf %mul3A_88, %mul3A_84 : vector<16xf32>
      %sub3A_90 = arith.constant 1.500000e+00 : f32
      %sub3A_91 = vector.broadcast %sub3A_90 : f32 to vector<16xf32>
      %sub3A_92 = arith.subf %sub3A_91, %mul3A_89 : vector<16xf32>
      %mul3A_93 = arith.mulf %mul3A_84, %sub3A_92 : vector<16xf32>
      %mul3A_94 = arith.constant 5.000000e-01 : f32
      %mul3A_95 = vector.broadcast %mul3A_94 : f32 to vector<16xf32>
      %mul3A_96 = arith.mulf %mul3A_95, %add3A_69 : vector<16xf32>
      %mul3A_97 = arith.mulf %mul3A_96, %mul3A_93 : vector<16xf32>
      %mul3A_98 = arith.mulf %mul3A_97, %mul3A_93 : vector<16xf32>
      %sub3A_99 = arith.constant 1.500000e+00 : f32
      %sub3A_100 = vector.broadcast %sub3A_99 : f32 to vector<16xf32>
      %sub3A_101 = arith.subf %sub3A_100, %mul3A_98 : vector<16xf32>
      %mul3A_102 = arith.mulf %mul3A_93, %sub3A_101 : vector<16xf32>
      %mul3A_103 = arith.mulf %add3A_69, %mul3A_102 : vector<16xf32>
      %broadcast_in_dim3A_104 = arith.constant 0.000000e+00 : f32
      %broadcast_in_dim3A_105 = vector.broadcast %broadcast_in_dim3A_104 : f32 to vector<16xf32>
      %add3A_106 = arith.constant 0 : i32
      %add3A_107 = vector.broadcast %add3A_106 : i32 to vector<16xi32>
      %add3A_108 = arith.addi %get3A_33, %add3A_107 : vector<16xi32>
      %gather3A_109 = tpu.vector_load_idx %arg8[%add3A_108] : memref<768xf32, #tpu.memory_space<vmem>>[vector<16xi32>], vector<16xf32>,
      %sub3A_110 = arith.subf %get3A_41, %gather3A_109 : vector<16xf32>
      %mul3A_111 = arith.mulf %sub3A_110, %sub3A_110 : vector<16xf32>
      %add3A_112 = arith.addf %broadcast_in_dim3A_105, %mul3A_111 : vector<16xf32>
      %add3A_113 = arith.constant 256 : i32
      %add3A_114 = vector.broadcast %add3A_113 : i32 to vector<16xi32>
      %add3A_115 = arith.addi %get3A_33, %add3A_114 : vector<16xi32>
      %gather3A_116 = tpu.vector_load_idx %arg8[%add3A_115] : memref<768xf32, #tpu.memory_space<vmem>>[vector<16xi32>], vector<16xf32>,
      %sub3A_117 = arith.subf %get3A_45, %gather3A_116 : vector<16xf32>
      %mul3A_118 = arith.mulf %sub3A_117, %sub3A_117 : vector<16xf32>
      %add3A_119 = arith.addf %add3A_112, %mul3A_118 : vector<16xf32>
      %add3A_120 = arith.constant 512 : i32
      %add3A_121 = vector.broadcast %add3A_120 : i32 to vector<16xi32>
      %add3A_122 = arith.addi %get3A_33, %add3A_121 : vector<16xi32>
      %gather3A_123 = tpu.vector_load_idx %arg8[%add3A_122] : memref<768xf32, #tpu.memory_space<vmem>>[vector<16xi32>], vector<16xf32>,
      %sub3A_124 = arith.subf %get3A_49, %gather3A_123 : vector<16xf32>
      %mul3A_125 = arith.mulf %sub3A_124, %sub3A_124 : vector<16xf32>
      %add3A_126 = arith.addf %add3A_119, %mul3A_125 : vector<16xf32>
      %bitcast_convert_type3A_127 = tpu.bitcast %add3A_126 : vector<16xf32> -> vector<16xi32>
      %shift_right_logical3A_128 = arith.constant 1 : i32
      %shift_right_logical3A_129 = vector.broadcast %shift_right_logical3A_128 : i32 to vector<16xi32>
      %shift_right_logical3A_130 = arith.shrui %bitcast_convert_type3A_127, %shift_right_logical3A_129 : vector<16xi32>
      %sub3A_131 = arith.constant 1597463007 : i32
      %sub3A_132 = vector.broadcast %sub3A_131 : i32 to vector<16xi32>
      %sub3A_133 = arith.subi %sub3A_132, %shift_right_logical3A_130 : vector<16xi32>
      %bitcast_convert_type3A_134 = tpu.bitcast %sub3A_133 : vector<16xi32> -> vector<16xf32>
      %mul3A_135 = arith.constant 5.000000e-01 : f32
      %mul3A_136 = vector.broadcast %mul3A_135 : f32 to vector<16xf32>
      %mul3A_137 = arith.mulf %mul3A_136, %add3A_126 : vector<16xf32>
      %mul3A_138 = arith.mulf %mul3A_137, %bitcast_convert_type3A_134 : vector<16xf32>
      %mul3A_139 = arith.mulf %mul3A_138, %bitcast_convert_type3A_134 : vector<16xf32>
      %sub3A_140 = arith.constant 1.500000e+00 : f32
      %sub3A_141 = vector.broadcast %sub3A_140 : f32 to vector<16xf32>
      %sub3A_142 = arith.subf %sub3A_141, %mul3A_139 : vector<16xf32>
      %mul3A_143 = arith.mulf %bitcast_convert_type3A_134, %sub3A_142 : vector<16xf32>
      %mul3A_144 = arith.constant 5.000000e-01 : f32
      %mul3A_145 = vector.broadcast %mul3A_144 : f32 to vector<16xf32>
      %mul3A_146 = arith.mulf %mul3A_145, %add3A_126 : vector<16xf32>
      %mul3A_147 = arith.mulf %mul3A_146, %mul3A_143 : vector<16xf32>
      %mul3A_148 = arith.mulf %mul3A_147, %mul3A_143 : vector<16xf32>
      %sub3A_149 = arith.constant 1.500000e+00 : f32
      %sub3A_150 = vector.broadcast %sub3A_149 : f32 to vector<16xf32>
      %sub3A_151 = arith.subf %sub3A_150, %mul3A_148 : vector<16xf32>
      %mul3A_152 = arith.mulf %mul3A_143, %sub3A_151 : vector<16xf32>
      %mul3A_153 = arith.constant 5.000000e-01 : f32
      %mul3A_154 = vector.broadcast %mul3A_153 : f32 to vector<16xf32>
      %mul3A_155 = arith.mulf %mul3A_154, %add3A_126 : vector<16xf32>
      %mul3A_156 = arith.mulf %mul3A_155, %mul3A_152 : vector<16xf32>
      %mul3A_157 = arith.mulf %mul3A_156, %mul3A_152 : vector<16xf32>
      %sub3A_158 = arith.constant 1.500000e+00 : f32
      %sub3A_159 = vector.broadcast %sub3A_158 : f32 to vector<16xf32>
      %sub3A_160 = arith.subf %sub3A_159, %mul3A_157 : vector<16xf32>
      %mul3A_161 = arith.mulf %mul3A_152, %sub3A_160 : vector<16xf32>
      %mul3A_162 = arith.mulf %add3A_126, %mul3A_161 : vector<16xf32>
      %broadcast_in_dim3A_163 = arith.constant 0.000000e+00 : f32
      %broadcast_in_dim3A_164 = vector.broadcast %broadcast_in_dim3A_163 : f32 to vector<16xf32>
      %add3A_165 = arith.constant 0 : i32
      %add3A_166 = vector.broadcast %add3A_165 : i32 to vector<16xi32>
      %add3A_167 = arith.addi %get3A_37, %add3A_166 : vector<16xi32>
      %gather3A_168 = tpu.vector_load_idx %arg8[%add3A_167] : memref<768xf32, #tpu.memory_space<vmem>>[vector<16xi32>], vector<16xf32>,
      %sub3A_169 = arith.subf %get3A_41, %gather3A_168 : vector<16xf32>
      %mul3A_170 = arith.mulf %sub3A_169, %sub3A_169 : vector<16xf32>
      %add3A_171 = arith.addf %broadcast_in_dim3A_164, %mul3A_170 : vector<16xf32>
      %add3A_172 = arith.constant 256 : i32
      %add3A_173 = vector.broadcast %add3A_172 : i32 to vector<16xi32>
      %add3A_174 = arith.addi %get3A_37, %add3A_173 : vector<16xi32>
      %gather3A_175 = tpu.vector_load_idx %arg8[%add3A_174] : memref<768xf32, #tpu.memory_space<vmem>>[vector<16xi32>], vector<16xf32>,
      %sub3A_176 = arith.subf %get3A_45, %gather3A_175 : vector<16xf32>
      %mul3A_177 = arith.mulf %sub3A_176, %sub3A_176 : vector<16xf32>
      %add3A_178 = arith.addf %add3A_171, %mul3A_177 : vector<16xf32>
      %add3A_179 = arith.constant 512 : i32
      %add3A_180 = vector.broadcast %add3A_179 : i32 to vector<16xi32>
      %add3A_181 = arith.addi %get3A_37, %add3A_180 : vector<16xi32>
      %gather3A_182 = tpu.vector_load_idx %arg8[%add3A_181] : memref<768xf32, #tpu.memory_space<vmem>>[vector<16xi32>], vector<16xf32>,
      %sub3A_183 = arith.subf %get3A_49, %gather3A_182 : vector<16xf32>
      %mul3A_184 = arith.mulf %sub3A_183, %sub3A_183 : vector<16xf32>
      %add3A_185 = arith.addf %add3A_178, %mul3A_184 : vector<16xf32>
      %bitcast_convert_type3A_186 = tpu.bitcast %add3A_185 : vector<16xf32> -> vector<16xi32>
      %shift_right_logical3A_187 = arith.constant 1 : i32
      %shift_right_logical3A_188 = vector.broadcast %shift_right_logical3A_187 : i32 to vector<16xi32>
      %shift_right_logical3A_189 = arith.shrui %bitcast_convert_type3A_186, %shift_right_logical3A_188 : vector<16xi32>
      %sub3A_190 = arith.constant 1597463007 : i32
      %sub3A_191 = vector.broadcast %sub3A_190 : i32 to vector<16xi32>
      %sub3A_192 = arith.subi %sub3A_191, %shift_right_logical3A_189 : vector<16xi32>
      %bitcast_convert_type3A_193 = tpu.bitcast %sub3A_192 : vector<16xi32> -> vector<16xf32>
      %mul3A_194 = arith.constant 5.000000e-01 : f32
      %mul3A_195 = vector.broadcast %mul3A_194 : f32 to vector<16xf32>
      %mul3A_196 = arith.mulf %mul3A_195, %add3A_185 : vector<16xf32>
      %mul3A_197 = arith.mulf %mul3A_196, %bitcast_convert_type3A_193 : vector<16xf32>
      %mul3A_198 = arith.mulf %mul3A_197, %bitcast_convert_type3A_193 : vector<16xf32>
      %sub3A_199 = arith.constant 1.500000e+00 : f32
      %sub3A_200 = vector.broadcast %sub3A_199 : f32 to vector<16xf32>
      %sub3A_201 = arith.subf %sub3A_200, %mul3A_198 : vector<16xf32>
      %mul3A_202 = arith.mulf %bitcast_convert_type3A_193, %sub3A_201 : vector<16xf32>
      %mul3A_203 = arith.constant 5.000000e-01 : f32
      %mul3A_204 = vector.broadcast %mul3A_203 : f32 to vector<16xf32>
      %mul3A_205 = arith.mulf %mul3A_204, %add3A_185 : vector<16xf32>
      %mul3A_206 = arith.mulf %mul3A_205, %mul3A_202 : vector<16xf32>
      %mul3A_207 = arith.mulf %mul3A_206, %mul3A_202 : vector<16xf32>
      %sub3A_208 = arith.constant 1.500000e+00 : f32
      %sub3A_209 = vector.broadcast %sub3A_208 : f32 to vector<16xf32>
      %sub3A_210 = arith.subf %sub3A_209, %mul3A_207 : vector<16xf32>
      %mul3A_211 = arith.mulf %mul3A_202, %sub3A_210 : vector<16xf32>
      %mul3A_212 = arith.constant 5.000000e-01 : f32
      %mul3A_213 = vector.broadcast %mul3A_212 : f32 to vector<16xf32>
      %mul3A_214 = arith.mulf %mul3A_213, %add3A_185 : vector<16xf32>
      %mul3A_215 = arith.mulf %mul3A_214, %mul3A_211 : vector<16xf32>
      %mul3A_216 = arith.mulf %mul3A_215, %mul3A_211 : vector<16xf32>
      %sub3A_217 = arith.constant 1.500000e+00 : f32
      %sub3A_218 = vector.broadcast %sub3A_217 : f32 to vector<16xf32>
      %sub3A_219 = arith.subf %sub3A_218, %mul3A_216 : vector<16xf32>
      %mul3A_220 = arith.mulf %mul3A_211, %sub3A_219 : vector<16xf32>
      %mul3A_221 = arith.mulf %add3A_185, %mul3A_220 : vector<16xf32>
      %add3A_222 = arith.addf %mul3A_103, %mul3A_162 : vector<16xf32>
      %add3A_223 = arith.addf %add3A_222, %mul3A_221 : vector<16xf32>
      %div3A = arith.divf %mul3A_103, %add3A_223 : vector<16xf32>
      %sub3A_224 = arith.constant 1.000000e+00 : f32
      %sub3A_225 = vector.broadcast %sub3A_224 : f32 to vector<16xf32>
      %sub3A_226 = arith.subf %sub3A_225, %div3A : vector<16xf32>
      %div3A_227 = arith.divf %mul3A_162, %add3A_223 : vector<16xf32>
      %sub3A_228 = arith.constant 1.000000e+00 : f32
      %sub3A_229 = vector.broadcast %sub3A_228 : f32 to vector<16xf32>
      %sub3A_230 = arith.subf %sub3A_229, %div3A_227 : vector<16xf32>
      %div3A_231 = arith.divf %mul3A_221, %add3A_223 : vector<16xf32>
      %sub3A_232 = arith.constant 1.000000e+00 : f32
      %sub3A_233 = vector.broadcast %sub3A_232 : f32 to vector<16xf32>
      %sub3A_234 = arith.subf %sub3A_233, %div3A_231 : vector<16xf32>
      %mul3A_235 = arith.constant 128 : i32
      %mul3A_236 = vector.broadcast %mul3A_235 : i32 to vector<16xi32>
      %mul3A_237 = arith.muli %get3A_29, %mul3A_236 : vector<16xi32>
      %mul3A_238 = arith.constant 128 : i32
      %mul3A_239 = vector.broadcast %mul3A_238 : i32 to vector<16xi32>
      %mul3A_240 = arith.muli %get3A_33, %mul3A_239 : vector<16xi32>
      %mul3A_241 = arith.constant 128 : i32
      %mul3A_242 = vector.broadcast %mul3A_241 : i32 to vector<16xi32>
      %mul3A_243 = arith.muli %get3A_37, %mul3A_242 : vector<16xi32>
      %parallel_loop3A = arith.constant 0 : i32
      %parallel_loop3A_244 = arith.constant 128 : i32
      %parallel_loop3A_245 = arith.constant 1 : i32
      scf.for %parallel_loop3A_246 = %parallel_loop3A to %parallel_loop3A_244 step %parallel_loop3A_245  : i32 {
        %parallel_loop3A_247 = vector.broadcast %parallel_loop3A_246 : i32 to vector<16xi32>
        %parallel_loop3A_248 = arith.addi %mul3A_237, %parallel_loop3A_247 : vector<16xi32>
        %parallel_loop3A_249 = tpu.vector_load_idx %arg7[%parallel_loop3A_248] : memref<32768xf32, #tpu.memory_space<vmem>>[vector<16xi32>], vector<16xf32>,
        %parallel_loop3A_250 = arith.mulf %sub3A_226, %parallel_loop3A_249 : vector<16xf32>
        %parallel_loop3A_251 = vector.broadcast %parallel_loop3A_246 : i32 to vector<16xi32>
        %parallel_loop3A_252 = arith.addi %mul3A_240, %parallel_loop3A_251 : vector<16xi32>
        %parallel_loop3A_253 = tpu.vector_load_idx %arg7[%parallel_loop3A_252] : memref<32768xf32, #tpu.memory_space<vmem>>[vector<16xi32>], vector<16xf32>,
        %parallel_loop3A_254 = arith.mulf %sub3A_230, %parallel_loop3A_253 : vector<16xf32>
        %parallel_loop3A_255 = arith.addf %parallel_loop3A_250, %parallel_loop3A_254 : vector<16xf32>
        %parallel_loop3A_256 = vector.broadcast %parallel_loop3A_246 : i32 to vector<16xi32>
        %parallel_loop3A_257 = arith.addi %mul3A_243, %parallel_loop3A_256 : vector<16xi32>
        %parallel_loop3A_258 = tpu.vector_load_idx %arg7[%parallel_loop3A_257] : memref<32768xf32, #tpu.memory_space<vmem>>[vector<16xi32>], vector<16xf32>,
        %parallel_loop3A_259 = arith.mulf %sub3A_234, %parallel_loop3A_258 : vector<16xf32>
        %parallel_loop3A_260 = arith.addf %parallel_loop3A_255, %parallel_loop3A_259 : vector<16xf32>
        %parallel_loop3A_261 = vector.broadcast %parallel_loop3A_246 : i32 to vector<16xi32>
        %parallel_loop3A_262 = vector.broadcast %multiple_of3A_26 : i32 to vector<16xi32>
        %parallel_loop3A_263 = arith.addi %iota3A, %parallel_loop3A_262 : vector<16xi32>
        tpu.vector_store_idx %arg11[%parallel_loop3A_261, %parallel_loop3A_263], %parallel_loop3A_260 : memref<128x640xf32, #tpu.memory_space<vmem>>[vector<16xi32>, vector<16xi32>], vector<16xf32>,
      } {sc.loop_unroll_factor = 4 : i64, sc.parallel_access}
    }
    %scan3A_21 = arith.constant 40 : i32
    %run_scoped3A_22 = arith.constant 1 : i32
    "tpu.region"() ({
      %run_scoped3A_23 = tpu.sem_alloc : memref<!tpu.dma_semaphore, #tpu.memory_space<semaphore_mem>>
      %dma_start3A = arith.constant 0 : i32
      %dma_start3A_24 = tpu.memref_slice %arg6[%run_scoped3A_22, %dma_start3A, %multiple_of3A] : memref<2x128x20480xf32, #tpu.memory_space<hbm>> -> memref<1x128x640xf32, #tpu.memory_space<hbm>>
      %dma_start3A_25 = tpu.memref_squeeze %dma_start3A_24 : memref<1x128x640xf32, #tpu.memory_space<hbm>> -> memref<128x640xf32, #tpu.memory_space<hbm>>
      %dma_start3A_26 = arith.constant 0 : i32
      %dma_start3A_27 = tpu.memref_slice %arg6[%run_scoped3A_22, %dma_start3A_26, %multiple_of3A] : memref<2x128x20480xf32, #tpu.memory_space<hbm>> -> memref<1x128x640xf32, #tpu.memory_space<hbm>>
      %dma_start3A_28 = tpu.memref_squeeze %dma_start3A_27 : memref<1x128x640xf32, #tpu.memory_space<hbm>> -> memref<128x640xf32, #tpu.memory_space<hbm>>
      tpu.enqueue_dma source(%arg11 : memref<128x640xf32, #tpu.memory_space<vmem>>) target(%dma_start3A_28 : memref<128x640xf32, #tpu.memory_space<hbm>>) target_semaphore(%run_scoped3A_23 : memref<!tpu.dma_semaphore, #tpu.memory_space<semaphore_mem>>)
      %dma_wait3A = arith.constant 0 : i32
      %dma_wait3A_29 = tpu.memref_slice %arg6[%run_scoped3A_22, %dma_wait3A, %multiple_of3A] : memref<2x128x20480xf32, #tpu.memory_space<hbm>> -> memref<1x128x640xf32, #tpu.memory_space<hbm>>
      %dma_wait3A_30 = tpu.memref_squeeze %dma_wait3A_29 : memref<1x128x640xf32, #tpu.memory_space<hbm>> -> memref<128x640xf32, #tpu.memory_space<hbm>>
      %dma_wait3A_31 = arith.constant 0 : i32
      %dma_wait3A_32 = tpu.memref_slice %arg6[%run_scoped3A_22, %dma_wait3A_31, %multiple_of3A] : memref<2x128x20480xf32, #tpu.memory_space<hbm>> -> memref<1x128x640xf32, #tpu.memory_space<hbm>>
      %dma_wait3A_33 = tpu.memref_squeeze %dma_wait3A_32 : memref<1x128x640xf32, #tpu.memory_space<hbm>> -> memref<128x640xf32, #tpu.memory_space<hbm>>
      tpu.wait_dma2 semaphore(%run_scoped3A_23 : memref<!tpu.dma_semaphore, #tpu.memory_space<semaphore_mem>>) src(%arg11 : memref<128x640xf32, #tpu.memory_space<vmem>>) dst(%dma_wait3A_33 : memref<128x640xf32, #tpu.memory_space<hbm>>)
      tpu.yield
    }) : () -> ()
    return
  }
}

module attributes {stable_mosaic.version = 14 : i64} {
  func.func @_prelude_body(%arg0: memref<2x256x128xf32, #tpu.memory_space<vmem>>, %arg1: memref<2x512x128xf32, #tpu.memory_space<vmem>>, %arg2: memref<2x512x80xf32, #tpu.memory_space<vmem>>, %arg3: memref<2x512x1xf32, #tpu.memory_space<vmem>>, %arg4: memref<2x64x256xf32, #tpu.memory_space<vmem>>, %arg5: memref<2x512x256xf32, #tpu.memory_space<vmem>>, %arg6: memref<2x256x320xf32, #tpu.memory_space<vmem>>, %arg7: memref<2x3x256xf32, #tpu.memory_space<vmem>>, %arg8: memref<2x128x3xf32, #tpu.memory_space<vmem>>, %arg9: memref<256x768xf32, #tpu.memory_space<vmem>>, %arg10: memref<80x256xf32, #tpu.memory_space<vmem>>, %arg11: memref<80x1xf32, #tpu.memory_space<vmem>>, %arg12: memref<1024x1792xf32, #tpu.memory_space<vmem>>, %arg13: memref<512x1024xf32, #tpu.memory_space<vmem>>, %arg14: memref<512x512xf32, #tpu.memory_space<vmem>>, %arg15: memref<512x1xf32, #tpu.memory_space<vmem>>, %arg16: memref<256x576xf32, #tpu.memory_space<vmem>>, %arg17: memref<320x256xf32, #tpu.memory_space<vmem>>, %arg18: memref<320x1xf32, #tpu.memory_space<vmem>>, %arg19: memref<512x832xf32, #tpu.memory_space<vmem>>, %arg20: memref<128x512xf32, #tpu.memory_space<vmem>>, %arg21: memref<128x128xf32, #tpu.memory_space<vmem>>, %arg22: memref<128x1xf32, #tpu.memory_space<vmem>>, %arg23: memref<2x512x128xf32, #tpu.memory_space<vmem>>, %arg24: memref<2x128x256xf32, #tpu.memory_space<vmem>>) attributes {dimension_semantics = [], scalar_prefetch = 0 : i64, scratch_operands = 0 : i64, tpu.core_type = #tpu.core_type<tc>} {
    %get3A = arith.constant 0 : index
    %get3A_0 = arith.constant 0 : index
    %get3A_1 = arith.constant 0 : index
    %get3A_2 = vector.load %arg0[%get3A, %get3A_0, %get3A_1] : memref<2x256x128xf32, #tpu.memory_space<vmem>>, vector<1x256x128xf32>
    %get3A_3 = vector.shape_cast %get3A_2 : vector<1x256x128xf32> to vector<256x128xf32>
    %get3A_4 = arith.constant 1 : index
    %get3A_5 = arith.constant 0 : index
    %get3A_6 = arith.constant 0 : index
    %get3A_7 = vector.load %arg0[%get3A_4, %get3A_5, %get3A_6] : memref<2x256x128xf32, #tpu.memory_space<vmem>>, vector<1x256x128xf32>
    %get3A_8 = vector.shape_cast %get3A_7 : vector<1x256x128xf32> to vector<256x128xf32>
    %concatenate3A = tpu.concatenate %get3A_3, %get3A_8 in 1 : vector<256x128xf32>, vector<256x128xf32> -> vector<256x256xf32>
    %get3A_9 = arith.constant 0 : index
    %get3A_10 = arith.constant 0 : index
    %get3A_11 = arith.constant 0 : index
    %get3A_12 = vector.load %arg1[%get3A_9, %get3A_10, %get3A_11] : memref<2x512x128xf32, #tpu.memory_space<vmem>>, vector<1x512x128xf32>
    %get3A_13 = vector.shape_cast %get3A_12 : vector<1x512x128xf32> to vector<512x128xf32>
    %get3A_14 = arith.constant 1 : index
    %get3A_15 = arith.constant 0 : index
    %get3A_16 = arith.constant 0 : index
    %get3A_17 = vector.load %arg1[%get3A_14, %get3A_15, %get3A_16] : memref<2x512x128xf32, #tpu.memory_space<vmem>>, vector<1x512x128xf32>
    %get3A_18 = vector.shape_cast %get3A_17 : vector<1x512x128xf32> to vector<512x128xf32>
    %concatenate3A_19 = tpu.concatenate %get3A_13, %get3A_18 in 1 : vector<512x128xf32>, vector<512x128xf32> -> vector<512x256xf32>
    %concatenate3A_20 = tpu.concatenate %concatenate3A, %concatenate3A_19 in 0 : vector<256x256xf32>, vector<512x256xf32> -> vector<768x256xf32>
    %get3A_21 = arith.constant 0 : index
    %get3A_22 = arith.constant 0 : index
    %get3A_23 = vector.load %arg9[%get3A_21, %get3A_22] : memref<256x768xf32, #tpu.memory_space<vmem>>, vector<256x768xf32>
    %get3A_24 = arith.constant 0 : index
    %get3A_25 = arith.constant 0 : index
    %get3A_26 = vector.load %arg10[%get3A_24, %get3A_25] : memref<80x256xf32, #tpu.memory_space<vmem>>, vector<80x256xf32>
    %get3A_27 = arith.constant 0 : index
    %get3A_28 = arith.constant 0 : index
    %get3A_29 = vector.load %arg11[%get3A_27, %get3A_28] : memref<80x1xf32, #tpu.memory_space<vmem>>, vector<80x1xf32>
    %dot_general3A = arith.constant dense<0.000000e+00> : vector<256x256xf32>
    %dot_general3A_30 = tpu.matmul %get3A_23, %concatenate3A_20, %dot_general3A {dimension_numbers = #tpu.dot_dimension_numbers<[1], [0], [0], [1], [0, 0, 1, 1], [], []>, transpose_lhs_hint = false} : vector<256x768xf32>, vector<768x256xf32>, vector<256x256xf32> -> vector<256x256xf32>
    %reduce_sum3A = arith.constant dense<0.000000e+00> : vector<256xf32>
    %reduce_sum3A_31 = vector.multi_reduction <add>, %dot_general3A_30, %reduce_sum3A [1] : vector<256x256xf32> to vector<256xf32>
    %broadcast_in_dim3A = vector.shape_cast %reduce_sum3A_31 : vector<256xf32> to vector<256x1xf32>
    %div3A = arith.constant 2.560000e+02 : f32
    %div3A_32 = vector.broadcast %div3A : f32 to vector<256x1xf32>
    %div3A_33 = arith.divf %broadcast_in_dim3A, %div3A_32 : vector<256x1xf32>
    %sub3A = vector.broadcast %div3A_33 : vector<256x1xf32> to vector<256x256xf32>
    %sub3A_34 = arith.subf %dot_general3A_30, %sub3A : vector<256x256xf32>
    %sub3A_35 = vector.broadcast %div3A_33 : vector<256x1xf32> to vector<256x256xf32>
    %sub3A_36 = arith.subf %dot_general3A_30, %sub3A_35 : vector<256x256xf32>
    %mul3A = arith.mulf %sub3A_34, %sub3A_36 : vector<256x256xf32>
    %reduce_sum3A_37 = arith.constant dense<0.000000e+00> : vector<256xf32>
    %reduce_sum3A_38 = vector.multi_reduction <add>, %mul3A, %reduce_sum3A_37 [1] : vector<256x256xf32> to vector<256xf32>
    %broadcast_in_dim3A_39 = vector.shape_cast %reduce_sum3A_38 : vector<256xf32> to vector<256x1xf32>
    %div3A_40 = arith.constant 2.560000e+02 : f32
    %div3A_41 = vector.broadcast %div3A_40 : f32 to vector<256x1xf32>
    %div3A_42 = arith.divf %broadcast_in_dim3A_39, %div3A_41 : vector<256x1xf32>
    %sub3A_43 = vector.broadcast %div3A_33 : vector<256x1xf32> to vector<256x256xf32>
    %sub3A_44 = arith.subf %dot_general3A_30, %sub3A_43 : vector<256x256xf32>
    %add3A = arith.constant 9.99999974E-6 : f32
    %add3A_45 = vector.broadcast %add3A : f32 to vector<256x1xf32>
    %add3A_46 = arith.addf %div3A_42, %add3A_45 : vector<256x1xf32>
    %sqrt3A = math.sqrt %add3A_46 : vector<256x1xf32>
    %div3A_47 = vector.broadcast %sqrt3A : vector<256x1xf32> to vector<256x256xf32>
    %div3A_48 = arith.divf %sub3A_44, %div3A_47 : vector<256x256xf32>
    %max3A = arith.constant 0.000000e+00 : f32
    %max3A_49 = vector.broadcast %max3A : f32 to vector<256x256xf32>
    %max3A_50 = arith.maximumf %div3A_48, %max3A_49 : vector<256x256xf32>
    %dot_general3A_51 = arith.constant dense<0.000000e+00> : vector<80x256xf32>
    %dot_general3A_52 = tpu.matmul %get3A_26, %max3A_50, %dot_general3A_51 {dimension_numbers = #tpu.dot_dimension_numbers<[1], [0], [0], [1], [0, 0, 1, 1], [], []>, transpose_lhs_hint = false} : vector<80x256xf32>, vector<256x256xf32>, vector<80x256xf32> -> vector<80x256xf32>
    %add3A_53 = vector.broadcast %get3A_29 : vector<80x1xf32> to vector<80x256xf32>
    %add3A_54 = arith.addf %dot_general3A_52, %add3A_53 : vector<80x256xf32>
    %reduce_max3A = arith.constant dense<0xFF800000> : vector<256xf32>
    %reduce_max3A_55 = vector.multi_reduction <maximumf>, %add3A_54, %reduce_max3A [0] : vector<80x256xf32> to vector<256xf32>
    %max3A_56 = arith.constant 0xFF800000 : f32
    %max3A_57 = vector.broadcast %max3A_56 : f32 to vector<256xf32>
    %max3A_58 = arith.maximumf %max3A_57, %reduce_max3A_55 : vector<256xf32>
    %broadcast_in_dim3A_59 = vector.shape_cast %max3A_58 : vector<256xf32> to vector<1x256xf32>
    %sub3A_60 = vector.broadcast %broadcast_in_dim3A_59 : vector<1x256xf32> to vector<80x256xf32>
    %sub3A_61 = arith.subf %add3A_54, %sub3A_60 : vector<80x256xf32>
    %exp3A = math.exp %sub3A_61 : vector<80x256xf32>
    %reduce_sum3A_62 = arith.constant dense<0.000000e+00> : vector<256xf32>
    %reduce_sum3A_63 = vector.multi_reduction <add>, %exp3A, %reduce_sum3A_62 [0] : vector<80x256xf32> to vector<256xf32>
    %broadcast_in_dim3A_64 = vector.shape_cast %reduce_sum3A_63 : vector<256xf32> to vector<1x256xf32>
    %div3A_65 = vector.broadcast %broadcast_in_dim3A_64 : vector<1x256xf32> to vector<80x256xf32>
    %div3A_66 = arith.divf %exp3A, %div3A_65 : vector<80x256xf32>
    %get3A_67 = arith.constant 0 : index
    %get3A_68 = arith.constant 0 : index
    %get3A_69 = arith.constant 0 : index
    %get3A_70 = vector.load %arg2[%get3A_67, %get3A_68, %get3A_69] : memref<2x512x80xf32, #tpu.memory_space<vmem>>, vector<1x512x80xf32>
    %get3A_71 = vector.shape_cast %get3A_70 : vector<1x512x80xf32> to vector<512x80xf32>
    %slice3A = vector.extract_strided_slice %div3A_66 {offsets = [0, 0], sizes = [80, 128], strides = [1, 1]} : vector<80x256xf32> to vector<80x128xf32>
    %dot_general3A_72 = arith.constant dense<0.000000e+00> : vector<512x128xf32>
    %dot_general3A_73 = tpu.matmul %get3A_71, %slice3A, %dot_general3A_72 {dimension_numbers = #tpu.dot_dimension_numbers<[1], [0], [0], [1], [0, 0, 1, 1], [], []>, transpose_lhs_hint = false} : vector<512x80xf32>, vector<80x128xf32>, vector<512x128xf32> -> vector<512x128xf32>
    %get3A_74 = arith.constant 1 : index
    %get3A_75 = arith.constant 0 : index
    %get3A_76 = arith.constant 0 : index
    %get3A_77 = vector.load %arg2[%get3A_74, %get3A_75, %get3A_76] : memref<2x512x80xf32, #tpu.memory_space<vmem>>, vector<1x512x80xf32>
    %get3A_78 = vector.shape_cast %get3A_77 : vector<1x512x80xf32> to vector<512x80xf32>
    %slice3A_79 = vector.extract_strided_slice %div3A_66 {offsets = [0, 128], sizes = [80, 128], strides = [1, 1]} : vector<80x256xf32> to vector<80x128xf32>
    %dot_general3A_80 = arith.constant dense<0.000000e+00> : vector<512x128xf32>
    %dot_general3A_81 = tpu.matmul %get3A_78, %slice3A_79, %dot_general3A_80 {dimension_numbers = #tpu.dot_dimension_numbers<[1], [0], [0], [1], [0, 0, 1, 1], [], []>, transpose_lhs_hint = false} : vector<512x80xf32>, vector<80x128xf32>, vector<512x128xf32> -> vector<512x128xf32>
    %concatenate3A_82 = tpu.concatenate %dot_general3A_73, %dot_general3A_81 in 1 : vector<512x128xf32>, vector<512x128xf32> -> vector<512x256xf32>
    %get3A_83 = arith.constant 0 : index
    %get3A_84 = arith.constant 0 : index
    %get3A_85 = arith.constant 0 : index
    %get3A_86 = vector.load %arg3[%get3A_83, %get3A_84, %get3A_85] : memref<2x512x1xf32, #tpu.memory_space<vmem>>, vector<1x512x1xf32>
    %get3A_87 = vector.shape_cast %get3A_86 : vector<1x512x1xf32> to vector<512x1xf32>
    %broadcast_in_dim3A_88 = vector.shape_cast %get3A_87 : vector<512x1xf32> to vector<512x1xf32>
    %broadcast_in_dim3A_89 = vector.broadcast %broadcast_in_dim3A_88 : vector<512x1xf32> to vector<512x128xf32>
    %get3A_90 = arith.constant 1 : index
    %get3A_91 = arith.constant 0 : index
    %get3A_92 = arith.constant 0 : index
    %get3A_93 = vector.load %arg3[%get3A_90, %get3A_91, %get3A_92] : memref<2x512x1xf32, #tpu.memory_space<vmem>>, vector<1x512x1xf32>
    %get3A_94 = vector.shape_cast %get3A_93 : vector<1x512x1xf32> to vector<512x1xf32>
    %broadcast_in_dim3A_95 = vector.shape_cast %get3A_94 : vector<512x1xf32> to vector<512x1xf32>
    %broadcast_in_dim3A_96 = vector.broadcast %broadcast_in_dim3A_95 : vector<512x1xf32> to vector<512x128xf32>
    %concatenate3A_97 = tpu.concatenate %broadcast_in_dim3A_89, %broadcast_in_dim3A_96 in 1 : vector<512x128xf32>, vector<512x128xf32> -> vector<512x256xf32>
    %concatenate3A_98 = tpu.concatenate %concatenate3A, %concatenate3A_97, %concatenate3A_82, %concatenate3A_19 in 0 : vector<256x256xf32>, vector<512x256xf32>, vector<512x256xf32>, vector<512x256xf32> -> vector<1792x256xf32>
    %get3A_99 = arith.constant 0 : index
    %get3A_100 = arith.constant 0 : index
    %get3A_101 = vector.load %arg12[%get3A_99, %get3A_100] : memref<1024x1792xf32, #tpu.memory_space<vmem>>, vector<1024x1792xf32>
    %get3A_102 = arith.constant 0 : index
    %get3A_103 = arith.constant 0 : index
    %get3A_104 = vector.load %arg13[%get3A_102, %get3A_103] : memref<512x1024xf32, #tpu.memory_space<vmem>>, vector<512x1024xf32>
    %get3A_105 = arith.constant 0 : index
    %get3A_106 = arith.constant 0 : index
    %get3A_107 = vector.load %arg14[%get3A_105, %get3A_106] : memref<512x512xf32, #tpu.memory_space<vmem>>, vector<512x512xf32>
    %get3A_108 = arith.constant 0 : index
    %get3A_109 = arith.constant 0 : index
    %get3A_110 = vector.load %arg15[%get3A_108, %get3A_109] : memref<512x1xf32, #tpu.memory_space<vmem>>, vector<512x1xf32>
    %dot_general3A_111 = arith.constant dense<0.000000e+00> : vector<1024x256xf32>
    %dot_general3A_112 = tpu.matmul %get3A_101, %concatenate3A_98, %dot_general3A_111 {dimension_numbers = #tpu.dot_dimension_numbers<[1], [0], [0], [1], [0, 0, 1, 1], [], []>, transpose_lhs_hint = false} : vector<1024x1792xf32>, vector<1792x256xf32>, vector<1024x256xf32> -> vector<1024x256xf32>
    %reduce_sum3A_113 = arith.constant dense<0.000000e+00> : vector<1024xf32>
    %reduce_sum3A_114 = vector.multi_reduction <add>, %dot_general3A_112, %reduce_sum3A_113 [1] : vector<1024x256xf32> to vector<1024xf32>
    %broadcast_in_dim3A_115 = vector.shape_cast %reduce_sum3A_114 : vector<1024xf32> to vector<1024x1xf32>
    %div3A_116 = arith.constant 2.560000e+02 : f32
    %div3A_117 = vector.broadcast %div3A_116 : f32 to vector<1024x1xf32>
    %div3A_118 = arith.divf %broadcast_in_dim3A_115, %div3A_117 : vector<1024x1xf32>
    %sub3A_119 = vector.broadcast %div3A_118 : vector<1024x1xf32> to vector<1024x256xf32>
    %sub3A_120 = arith.subf %dot_general3A_112, %sub3A_119 : vector<1024x256xf32>
    %sub3A_121 = vector.broadcast %div3A_118 : vector<1024x1xf32> to vector<1024x256xf32>
    %sub3A_122 = arith.subf %dot_general3A_112, %sub3A_121 : vector<1024x256xf32>
    %mul3A_123 = arith.mulf %sub3A_120, %sub3A_122 : vector<1024x256xf32>
    %reduce_sum3A_124 = arith.constant dense<0.000000e+00> : vector<1024xf32>
    %reduce_sum3A_125 = vector.multi_reduction <add>, %mul3A_123, %reduce_sum3A_124 [1] : vector<1024x256xf32> to vector<1024xf32>
    %broadcast_in_dim3A_126 = vector.shape_cast %reduce_sum3A_125 : vector<1024xf32> to vector<1024x1xf32>
    %div3A_127 = arith.constant 2.560000e+02 : f32
    %div3A_128 = vector.broadcast %div3A_127 : f32 to vector<1024x1xf32>
    %div3A_129 = arith.divf %broadcast_in_dim3A_126, %div3A_128 : vector<1024x1xf32>
    %sub3A_130 = vector.broadcast %div3A_118 : vector<1024x1xf32> to vector<1024x256xf32>
    %sub3A_131 = arith.subf %dot_general3A_112, %sub3A_130 : vector<1024x256xf32>
    %add3A_132 = arith.constant 9.99999974E-6 : f32
    %add3A_133 = vector.broadcast %add3A_132 : f32 to vector<1024x1xf32>
    %add3A_134 = arith.addf %div3A_129, %add3A_133 : vector<1024x1xf32>
    %sqrt3A_135 = math.sqrt %add3A_134 : vector<1024x1xf32>
    %div3A_136 = vector.broadcast %sqrt3A_135 : vector<1024x1xf32> to vector<1024x256xf32>
    %div3A_137 = arith.divf %sub3A_131, %div3A_136 : vector<1024x256xf32>
    %max3A_138 = arith.constant 0.000000e+00 : f32
    %max3A_139 = vector.broadcast %max3A_138 : f32 to vector<1024x256xf32>
    %max3A_140 = arith.maximumf %div3A_137, %max3A_139 : vector<1024x256xf32>
    %dot_general3A_141 = arith.constant dense<0.000000e+00> : vector<512x256xf32>
    %dot_general3A_142 = tpu.matmul %get3A_104, %max3A_140, %dot_general3A_141 {dimension_numbers = #tpu.dot_dimension_numbers<[1], [0], [0], [1], [0, 0, 1, 1], [], []>, transpose_lhs_hint = false} : vector<512x1024xf32>, vector<1024x256xf32>, vector<512x256xf32> -> vector<512x256xf32>
    %reduce_sum3A_143 = arith.constant dense<0.000000e+00> : vector<512xf32>
    %reduce_sum3A_144 = vector.multi_reduction <add>, %dot_general3A_142, %reduce_sum3A_143 [1] : vector<512x256xf32> to vector<512xf32>
    %broadcast_in_dim3A_145 = vector.shape_cast %reduce_sum3A_144 : vector<512xf32> to vector<512x1xf32>
    %div3A_146 = arith.constant 2.560000e+02 : f32
    %div3A_147 = vector.broadcast %div3A_146 : f32 to vector<512x1xf32>
    %div3A_148 = arith.divf %broadcast_in_dim3A_145, %div3A_147 : vector<512x1xf32>
    %sub3A_149 = vector.broadcast %div3A_148 : vector<512x1xf32> to vector<512x256xf32>
    %sub3A_150 = arith.subf %dot_general3A_142, %sub3A_149 : vector<512x256xf32>
    %sub3A_151 = vector.broadcast %div3A_148 : vector<512x1xf32> to vector<512x256xf32>
    %sub3A_152 = arith.subf %dot_general3A_142, %sub3A_151 : vector<512x256xf32>
    %mul3A_153 = arith.mulf %sub3A_150, %sub3A_152 : vector<512x256xf32>
    %reduce_sum3A_154 = arith.constant dense<0.000000e+00> : vector<512xf32>
    %reduce_sum3A_155 = vector.multi_reduction <add>, %mul3A_153, %reduce_sum3A_154 [1] : vector<512x256xf32> to vector<512xf32>
    %broadcast_in_dim3A_156 = vector.shape_cast %reduce_sum3A_155 : vector<512xf32> to vector<512x1xf32>
    %div3A_157 = arith.constant 2.560000e+02 : f32
    %div3A_158 = vector.broadcast %div3A_157 : f32 to vector<512x1xf32>
    %div3A_159 = arith.divf %broadcast_in_dim3A_156, %div3A_158 : vector<512x1xf32>
    %sub3A_160 = vector.broadcast %div3A_148 : vector<512x1xf32> to vector<512x256xf32>
    %sub3A_161 = arith.subf %dot_general3A_142, %sub3A_160 : vector<512x256xf32>
    %add3A_162 = arith.constant 9.99999974E-6 : f32
    %add3A_163 = vector.broadcast %add3A_162 : f32 to vector<512x1xf32>
    %add3A_164 = arith.addf %div3A_159, %add3A_163 : vector<512x1xf32>
    %sqrt3A_165 = math.sqrt %add3A_164 : vector<512x1xf32>
    %div3A_166 = vector.broadcast %sqrt3A_165 : vector<512x1xf32> to vector<512x256xf32>
    %div3A_167 = arith.divf %sub3A_161, %div3A_166 : vector<512x256xf32>
    %max3A_168 = arith.constant 0.000000e+00 : f32
    %max3A_169 = vector.broadcast %max3A_168 : f32 to vector<512x256xf32>
    %max3A_170 = arith.maximumf %div3A_167, %max3A_169 : vector<512x256xf32>
    %dot_general3A_171 = arith.constant dense<0.000000e+00> : vector<512x256xf32>
    %dot_general3A_172 = tpu.matmul %get3A_107, %max3A_170, %dot_general3A_171 {dimension_numbers = #tpu.dot_dimension_numbers<[1], [0], [0], [1], [0, 0, 1, 1], [], []>, transpose_lhs_hint = false} : vector<512x512xf32>, vector<512x256xf32>, vector<512x256xf32> -> vector<512x256xf32>
    %add3A_173 = vector.broadcast %get3A_110 : vector<512x1xf32> to vector<512x256xf32>
    %add3A_174 = arith.addf %dot_general3A_172, %add3A_173 : vector<512x256xf32>
    %slice3A_175 = vector.extract_strided_slice %add3A_174 {offsets = [0, 0], sizes = [512, 128], strides = [1, 1]} : vector<512x256xf32> to vector<512x128xf32>
    %swap3A = arith.constant 0 : index
    %swap3A_176 = arith.constant 0 : index
    %swap3A_177 = arith.constant 0 : index
    %swap3A_178 = vector.load %arg23[%swap3A, %swap3A_176, %swap3A_177] : memref<2x512x128xf32, #tpu.memory_space<vmem>>, vector<1x512x128xf32>
    %swap3A_179 = vector.shape_cast %swap3A_178 : vector<1x512x128xf32> to vector<512x128xf32>
    %swap3A_180 = vector.shape_cast %slice3A_175 : vector<512x128xf32> to vector<1x512x128xf32>
    tpu.vector_store %arg23[%swap3A, %swap3A_176, %swap3A_177], %swap3A_180 {strides = array<i32>} : memref<2x512x128xf32, #tpu.memory_space<vmem>>, vector<1x512x128xf32>,
    %slice3A_181 = vector.extract_strided_slice %add3A_174 {offsets = [0, 128], sizes = [512, 128], strides = [1, 1]} : vector<512x256xf32> to vector<512x128xf32>
    %swap3A_182 = arith.constant 1 : index
    %swap3A_183 = arith.constant 0 : index
    %swap3A_184 = arith.constant 0 : index
    %swap3A_185 = vector.load %arg23[%swap3A_182, %swap3A_183, %swap3A_184] : memref<2x512x128xf32, #tpu.memory_space<vmem>>, vector<1x512x128xf32>
    %swap3A_186 = vector.shape_cast %swap3A_185 : vector<1x512x128xf32> to vector<512x128xf32>
    %swap3A_187 = vector.shape_cast %slice3A_181 : vector<512x128xf32> to vector<1x512x128xf32>
    tpu.vector_store %arg23[%swap3A_182, %swap3A_183, %swap3A_184], %swap3A_187 {strides = array<i32>} : memref<2x512x128xf32, #tpu.memory_space<vmem>>, vector<1x512x128xf32>,
    %get3A_188 = arith.constant 0 : index
    %get3A_189 = arith.constant 0 : index
    %get3A_190 = arith.constant 0 : index
    %get3A_191 = vector.load %arg4[%get3A_188, %get3A_189, %get3A_190] : memref<2x64x256xf32, #tpu.memory_space<vmem>>, vector<1x64x256xf32>
    %get3A_192 = vector.shape_cast %get3A_191 : vector<1x64x256xf32> to vector<64x256xf32>
    %get3A_193 = arith.constant 1 : index
    %get3A_194 = arith.constant 0 : index
    %get3A_195 = arith.constant 0 : index
    %get3A_196 = vector.load %arg4[%get3A_193, %get3A_194, %get3A_195] : memref<2x64x256xf32, #tpu.memory_space<vmem>>, vector<1x64x256xf32>
    %get3A_197 = vector.shape_cast %get3A_196 : vector<1x64x256xf32> to vector<64x256xf32>
    %concatenate3A_198 = tpu.concatenate %get3A_192, %get3A_197 in 1 : vector<64x256xf32>, vector<64x256xf32> -> vector<64x512xf32>
    %get3A_199 = arith.constant 0 : index
    %get3A_200 = arith.constant 0 : index
    %get3A_201 = arith.constant 0 : index
    %get3A_202 = vector.load %arg5[%get3A_199, %get3A_200, %get3A_201] : memref<2x512x256xf32, #tpu.memory_space<vmem>>, vector<1x512x256xf32>
    %get3A_203 = vector.shape_cast %get3A_202 : vector<1x512x256xf32> to vector<512x256xf32>
    %get3A_204 = arith.constant 1 : index
    %get3A_205 = arith.constant 0 : index
    %get3A_206 = arith.constant 0 : index
    %get3A_207 = vector.load %arg5[%get3A_204, %get3A_205, %get3A_206] : memref<2x512x256xf32, #tpu.memory_space<vmem>>, vector<1x512x256xf32>
    %get3A_208 = vector.shape_cast %get3A_207 : vector<1x512x256xf32> to vector<512x256xf32>
    %concatenate3A_209 = tpu.concatenate %get3A_203, %get3A_208 in 1 : vector<512x256xf32>, vector<512x256xf32> -> vector<512x512xf32>
    %concatenate3A_210 = tpu.concatenate %concatenate3A_198, %concatenate3A_209 in 0 : vector<64x512xf32>, vector<512x512xf32> -> vector<576x512xf32>
    %get3A_211 = arith.constant 0 : index
    %get3A_212 = arith.constant 0 : index
    %get3A_213 = vector.load %arg16[%get3A_211, %get3A_212] : memref<256x576xf32, #tpu.memory_space<vmem>>, vector<256x576xf32>
    %get3A_214 = arith.constant 0 : index
    %get3A_215 = arith.constant 0 : index
    %get3A_216 = vector.load %arg17[%get3A_214, %get3A_215] : memref<320x256xf32, #tpu.memory_space<vmem>>, vector<320x256xf32>
    %get3A_217 = arith.constant 0 : index
    %get3A_218 = arith.constant 0 : index
    %get3A_219 = vector.load %arg18[%get3A_217, %get3A_218] : memref<320x1xf32, #tpu.memory_space<vmem>>, vector<320x1xf32>
    %dot_general3A_220 = arith.constant dense<0.000000e+00> : vector<256x512xf32>
    %dot_general3A_221 = tpu.matmul %get3A_213, %concatenate3A_210, %dot_general3A_220 {dimension_numbers = #tpu.dot_dimension_numbers<[1], [0], [0], [1], [0, 0, 1, 1], [], []>, transpose_lhs_hint = false} : vector<256x576xf32>, vector<576x512xf32>, vector<256x512xf32> -> vector<256x512xf32>
    %reduce_sum3A_222 = arith.constant dense<0.000000e+00> : vector<256xf32>
    %reduce_sum3A_223 = vector.multi_reduction <add>, %dot_general3A_221, %reduce_sum3A_222 [1] : vector<256x512xf32> to vector<256xf32>
    %broadcast_in_dim3A_224 = vector.shape_cast %reduce_sum3A_223 : vector<256xf32> to vector<256x1xf32>
    %div3A_225 = arith.constant 5.120000e+02 : f32
    %div3A_226 = vector.broadcast %div3A_225 : f32 to vector<256x1xf32>
    %div3A_227 = arith.divf %broadcast_in_dim3A_224, %div3A_226 : vector<256x1xf32>
    %sub3A_228 = vector.broadcast %div3A_227 : vector<256x1xf32> to vector<256x512xf32>
    %sub3A_229 = arith.subf %dot_general3A_221, %sub3A_228 : vector<256x512xf32>
    %sub3A_230 = vector.broadcast %div3A_227 : vector<256x1xf32> to vector<256x512xf32>
    %sub3A_231 = arith.subf %dot_general3A_221, %sub3A_230 : vector<256x512xf32>
    %mul3A_232 = arith.mulf %sub3A_229, %sub3A_231 : vector<256x512xf32>
    %reduce_sum3A_233 = arith.constant dense<0.000000e+00> : vector<256xf32>
    %reduce_sum3A_234 = vector.multi_reduction <add>, %mul3A_232, %reduce_sum3A_233 [1] : vector<256x512xf32> to vector<256xf32>
    %broadcast_in_dim3A_235 = vector.shape_cast %reduce_sum3A_234 : vector<256xf32> to vector<256x1xf32>
    %div3A_236 = arith.constant 5.120000e+02 : f32
    %div3A_237 = vector.broadcast %div3A_236 : f32 to vector<256x1xf32>
    %div3A_238 = arith.divf %broadcast_in_dim3A_235, %div3A_237 : vector<256x1xf32>
    %sub3A_239 = vector.broadcast %div3A_227 : vector<256x1xf32> to vector<256x512xf32>
    %sub3A_240 = arith.subf %dot_general3A_221, %sub3A_239 : vector<256x512xf32>
    %add3A_241 = arith.constant 9.99999974E-6 : f32
    %add3A_242 = vector.broadcast %add3A_241 : f32 to vector<256x1xf32>
    %add3A_243 = arith.addf %div3A_238, %add3A_242 : vector<256x1xf32>
    %sqrt3A_244 = math.sqrt %add3A_243 : vector<256x1xf32>
    %div3A_245 = vector.broadcast %sqrt3A_244 : vector<256x1xf32> to vector<256x512xf32>
    %div3A_246 = arith.divf %sub3A_240, %div3A_245 : vector<256x512xf32>
    %max3A_247 = arith.constant 0.000000e+00 : f32
    %max3A_248 = vector.broadcast %max3A_247 : f32 to vector<256x512xf32>
    %max3A_249 = arith.maximumf %div3A_246, %max3A_248 : vector<256x512xf32>
    %dot_general3A_250 = arith.constant dense<0.000000e+00> : vector<320x512xf32>
    %dot_general3A_251 = tpu.matmul %get3A_216, %max3A_249, %dot_general3A_250 {dimension_numbers = #tpu.dot_dimension_numbers<[1], [0], [0], [1], [0, 0, 1, 1], [], []>, transpose_lhs_hint = false} : vector<320x256xf32>, vector<256x512xf32>, vector<320x512xf32> -> vector<320x512xf32>
    %add3A_252 = vector.broadcast %get3A_219 : vector<320x1xf32> to vector<320x512xf32>
    %add3A_253 = arith.addf %dot_general3A_251, %add3A_252 : vector<320x512xf32>
    %reduce_max3A_254 = arith.constant dense<0xFF800000> : vector<512xf32>
    %reduce_max3A_255 = vector.multi_reduction <maximumf>, %add3A_253, %reduce_max3A_254 [0] : vector<320x512xf32> to vector<512xf32>
    %max3A_256 = arith.constant 0xFF800000 : f32
    %max3A_257 = vector.broadcast %max3A_256 : f32 to vector<512xf32>
    %max3A_258 = arith.maximumf %max3A_257, %reduce_max3A_255 : vector<512xf32>
    %broadcast_in_dim3A_259 = vector.shape_cast %max3A_258 : vector<512xf32> to vector<1x512xf32>
    %sub3A_260 = vector.broadcast %broadcast_in_dim3A_259 : vector<1x512xf32> to vector<320x512xf32>
    %sub3A_261 = arith.subf %add3A_253, %sub3A_260 : vector<320x512xf32>
    %exp3A_262 = math.exp %sub3A_261 : vector<320x512xf32>
    %reduce_sum3A_263 = arith.constant dense<0.000000e+00> : vector<512xf32>
    %reduce_sum3A_264 = vector.multi_reduction <add>, %exp3A_262, %reduce_sum3A_263 [0] : vector<320x512xf32> to vector<512xf32>
    %broadcast_in_dim3A_265 = vector.shape_cast %reduce_sum3A_264 : vector<512xf32> to vector<1x512xf32>
    %div3A_266 = vector.broadcast %broadcast_in_dim3A_265 : vector<1x512xf32> to vector<320x512xf32>
    %div3A_267 = arith.divf %exp3A_262, %div3A_266 : vector<320x512xf32>
    %get3A_268 = arith.constant 0 : index
    %get3A_269 = arith.constant 0 : index
    %get3A_270 = arith.constant 0 : index
    %get3A_271 = vector.load %arg6[%get3A_268, %get3A_269, %get3A_270] : memref<2x256x320xf32, #tpu.memory_space<vmem>>, vector<1x256x320xf32>
    %get3A_272 = vector.shape_cast %get3A_271 : vector<1x256x320xf32> to vector<256x320xf32>
    %slice3A_273 = vector.extract_strided_slice %div3A_267 {offsets = [0, 0], sizes = [320, 256], strides = [1, 1]} : vector<320x512xf32> to vector<320x256xf32>
    %dot_general3A_274 = arith.constant dense<0.000000e+00> : vector<256x256xf32>
    %dot_general3A_275 = tpu.matmul %get3A_272, %slice3A_273, %dot_general3A_274 {dimension_numbers = #tpu.dot_dimension_numbers<[1], [0], [0], [1], [0, 0, 1, 1], [], []>, transpose_lhs_hint = false} : vector<256x320xf32>, vector<320x256xf32>, vector<256x256xf32> -> vector<256x256xf32>
    %get3A_276 = arith.constant 1 : index
    %get3A_277 = arith.constant 0 : index
    %get3A_278 = arith.constant 0 : index
    %get3A_279 = vector.load %arg6[%get3A_276, %get3A_277, %get3A_278] : memref<2x256x320xf32, #tpu.memory_space<vmem>>, vector<1x256x320xf32>
    %get3A_280 = vector.shape_cast %get3A_279 : vector<1x256x320xf32> to vector<256x320xf32>
    %slice3A_281 = vector.extract_strided_slice %div3A_267 {offsets = [0, 256], sizes = [320, 256], strides = [1, 1]} : vector<320x512xf32> to vector<320x256xf32>
    %dot_general3A_282 = arith.constant dense<0.000000e+00> : vector<256x256xf32>
    %dot_general3A_283 = tpu.matmul %get3A_280, %slice3A_281, %dot_general3A_282 {dimension_numbers = #tpu.dot_dimension_numbers<[1], [0], [0], [1], [0, 0, 1, 1], [], []>, transpose_lhs_hint = false} : vector<256x320xf32>, vector<320x256xf32>, vector<256x256xf32> -> vector<256x256xf32>
    %concatenate3A_284 = tpu.concatenate %dot_general3A_275, %dot_general3A_283 in 1 : vector<256x256xf32>, vector<256x256xf32> -> vector<256x512xf32>
    %slice3A_285 = vector.extract_strided_slice %add3A_174 {offsets = [0, 0], sizes = [512, 128], strides = [1, 1]} : vector<512x256xf32> to vector<512x128xf32>
    %broadcast_in_dim3A_286 = arith.constant 0.000000e+00 : f32
    %broadcast_in_dim3A_287 = vector.broadcast %broadcast_in_dim3A_286 : f32 to vector<128x256xf32>
    %get3A_288 = arith.constant 0 : index
    %get3A_289 = arith.constant 0 : index
    %get3A_290 = arith.constant 0 : index
    %get3A_291 = vector.load %arg8[%get3A_288, %get3A_289, %get3A_290] : memref<2x128x3xf32, #tpu.memory_space<vmem>>, vector<1x128x3xf32>
    %get3A_292 = vector.shape_cast %get3A_291 : vector<1x128x3xf32> to vector<128x3xf32>
    %slice3A_293 = vector.extract_strided_slice %get3A_292 {offsets = [0, 0], sizes = [128, 1], strides = [1, 1]} : vector<128x3xf32> to vector<128x1xf32>
    %get3A_294 = arith.constant 0 : index
    %get3A_295 = arith.constant 0 : index
    %get3A_296 = arith.constant 0 : index
    %get3A_297 = vector.load %arg7[%get3A_294, %get3A_295, %get3A_296] : memref<2x3x256xf32, #tpu.memory_space<vmem>>, vector<1x3x256xf32>
    %get3A_298 = vector.shape_cast %get3A_297 : vector<1x3x256xf32> to vector<3x256xf32>
    %slice3A_299 = vector.extract_strided_slice %get3A_298 {offsets = [0, 0], sizes = [1, 256], strides = [1, 1]} : vector<3x256xf32> to vector<1x256xf32>
    %sub3A_300 = vector.broadcast %slice3A_293 : vector<128x1xf32> to vector<128x256xf32>
    %sub3A_301 = vector.broadcast %slice3A_299 : vector<1x256xf32> to vector<128x256xf32>
    %sub3A_302 = arith.subf %sub3A_300, %sub3A_301 : vector<128x256xf32>
    %mul3A_303 = arith.mulf %sub3A_302, %sub3A_302 : vector<128x256xf32>
    %add3A_304 = arith.addf %broadcast_in_dim3A_287, %mul3A_303 : vector<128x256xf32>
    %get3A_305 = arith.constant 0 : index
    %get3A_306 = arith.constant 0 : index
    %get3A_307 = arith.constant 0 : index
    %get3A_308 = vector.load %arg8[%get3A_305, %get3A_306, %get3A_307] : memref<2x128x3xf32, #tpu.memory_space<vmem>>, vector<1x128x3xf32>
    %get3A_309 = vector.shape_cast %get3A_308 : vector<1x128x3xf32> to vector<128x3xf32>
    %slice3A_310 = vector.extract_strided_slice %get3A_309 {offsets = [0, 1], sizes = [128, 1], strides = [1, 1]} : vector<128x3xf32> to vector<128x1xf32>
    %get3A_311 = arith.constant 0 : index
    %get3A_312 = arith.constant 0 : index
    %get3A_313 = arith.constant 0 : index
    %get3A_314 = vector.load %arg7[%get3A_311, %get3A_312, %get3A_313] : memref<2x3x256xf32, #tpu.memory_space<vmem>>, vector<1x3x256xf32>
    %get3A_315 = vector.shape_cast %get3A_314 : vector<1x3x256xf32> to vector<3x256xf32>
    %slice3A_316 = vector.extract_strided_slice %get3A_315 {offsets = [1, 0], sizes = [1, 256], strides = [1, 1]} : vector<3x256xf32> to vector<1x256xf32>
    %sub3A_317 = vector.broadcast %slice3A_310 : vector<128x1xf32> to vector<128x256xf32>
    %sub3A_318 = vector.broadcast %slice3A_316 : vector<1x256xf32> to vector<128x256xf32>
    %sub3A_319 = arith.subf %sub3A_317, %sub3A_318 : vector<128x256xf32>
    %mul3A_320 = arith.mulf %sub3A_319, %sub3A_319 : vector<128x256xf32>
    %add3A_321 = arith.addf %add3A_304, %mul3A_320 : vector<128x256xf32>
    %get3A_322 = arith.constant 0 : index
    %get3A_323 = arith.constant 0 : index
    %get3A_324 = arith.constant 0 : index
    %get3A_325 = vector.load %arg8[%get3A_322, %get3A_323, %get3A_324] : memref<2x128x3xf32, #tpu.memory_space<vmem>>, vector<1x128x3xf32>
    %get3A_326 = vector.shape_cast %get3A_325 : vector<1x128x3xf32> to vector<128x3xf32>
    %slice3A_327 = vector.extract_strided_slice %get3A_326 {offsets = [0, 2], sizes = [128, 1], strides = [1, 1]} : vector<128x3xf32> to vector<128x1xf32>
    %get3A_328 = arith.constant 0 : index
    %get3A_329 = arith.constant 0 : index
    %get3A_330 = arith.constant 0 : index
    %get3A_331 = vector.load %arg7[%get3A_328, %get3A_329, %get3A_330] : memref<2x3x256xf32, #tpu.memory_space<vmem>>, vector<1x3x256xf32>
    %get3A_332 = vector.shape_cast %get3A_331 : vector<1x3x256xf32> to vector<3x256xf32>
    %slice3A_333 = vector.extract_strided_slice %get3A_332 {offsets = [2, 0], sizes = [1, 256], strides = [1, 1]} : vector<3x256xf32> to vector<1x256xf32>
    %sub3A_334 = vector.broadcast %slice3A_327 : vector<128x1xf32> to vector<128x256xf32>
    %sub3A_335 = vector.broadcast %slice3A_333 : vector<1x256xf32> to vector<128x256xf32>
    %sub3A_336 = arith.subf %sub3A_334, %sub3A_335 : vector<128x256xf32>
    %mul3A_337 = arith.mulf %sub3A_336, %sub3A_336 : vector<128x256xf32>
    %add3A_338 = arith.addf %add3A_321, %mul3A_337 : vector<128x256xf32>
    %iota3A = tpu.iota {dimensions = array<i32: 0>} : vector<128x256xi32>
    %bitcast_convert_type3A = tpu.bitcast %add3A_338 : vector<128x256xf32> -> vector<128x256xi32>
    %and3A = arith.constant -128 : i32
    %and3A_339 = vector.broadcast %and3A : i32 to vector<128x256xi32>
    %and3A_340 = arith.andi %bitcast_convert_type3A, %and3A_339 : vector<128x256xi32>
    %or3A = arith.ori %and3A_340, %iota3A : vector<128x256xi32>
    %reduce_min3A = arith.constant dense<2147483647> : vector<256xi32>
    %reduce_min3A_341 = vector.multi_reduction <minsi>, %or3A, %reduce_min3A [0] : vector<128x256xi32> to vector<256xi32>
    %broadcast_in_dim3A_342 = vector.shape_cast %reduce_min3A_341 : vector<256xi32> to vector<1x256xi32>
    %eq3A = vector.broadcast %broadcast_in_dim3A_342 : vector<1x256xi32> to vector<128x256xi32>
    %eq3A_343 = arith.cmpi eq, %or3A, %eq3A : vector<128x256xi32>
    %bitcast_convert_type3A_344 = tpu.bitcast %broadcast_in_dim3A_342 : vector<1x256xi32> -> vector<1x256xf32>
    %sqrt3A_345 = math.sqrt %bitcast_convert_type3A_344 : vector<1x256xf32>
    %jit3A = arith.constant 2147483647 : i32
    %broadcast_in_dim3A_346 = vector.broadcast %jit3A : i32 to vector<128x256xi32>
    %select_n3A = arith.select %eq3A_343, %broadcast_in_dim3A_346, %or3A : vector<128x256xi1>, vector<128x256xi32>
    %reduce_min3A_347 = arith.constant dense<2147483647> : vector<256xi32>
    %reduce_min3A_348 = vector.multi_reduction <minsi>, %select_n3A, %reduce_min3A_347 [0] : vector<128x256xi32> to vector<256xi32>
    %broadcast_in_dim3A_349 = vector.shape_cast %reduce_min3A_348 : vector<256xi32> to vector<1x256xi32>
    %eq3A_350 = vector.broadcast %broadcast_in_dim3A_349 : vector<1x256xi32> to vector<128x256xi32>
    %eq3A_351 = arith.cmpi eq, %select_n3A, %eq3A_350 : vector<128x256xi32>
    %bitcast_convert_type3A_352 = tpu.bitcast %broadcast_in_dim3A_349 : vector<1x256xi32> -> vector<1x256xf32>
    %sqrt3A_353 = math.sqrt %bitcast_convert_type3A_352 : vector<1x256xf32>
    %jit3A_354 = arith.constant 2147483647 : i32
    %broadcast_in_dim3A_355 = vector.broadcast %jit3A_354 : i32 to vector<128x256xi32>
    %select_n3A_356 = arith.select %eq3A_351, %broadcast_in_dim3A_355, %select_n3A : vector<128x256xi1>, vector<128x256xi32>
    %reduce_min3A_357 = arith.constant dense<2147483647> : vector<256xi32>
    %reduce_min3A_358 = vector.multi_reduction <minsi>, %select_n3A_356, %reduce_min3A_357 [0] : vector<128x256xi32> to vector<256xi32>
    %broadcast_in_dim3A_359 = vector.shape_cast %reduce_min3A_358 : vector<256xi32> to vector<1x256xi32>
    %eq3A_360 = vector.broadcast %broadcast_in_dim3A_359 : vector<1x256xi32> to vector<128x256xi32>
    %eq3A_361 = arith.cmpi eq, %select_n3A_356, %eq3A_360 : vector<128x256xi32>
    %bitcast_convert_type3A_362 = tpu.bitcast %broadcast_in_dim3A_359 : vector<1x256xi32> -> vector<1x256xf32>
    %sqrt3A_363 = math.sqrt %bitcast_convert_type3A_362 : vector<1x256xf32>
    %add3A_364 = arith.addf %sqrt3A_345, %sqrt3A_353 : vector<1x256xf32>
    %add3A_365 = arith.addf %add3A_364, %sqrt3A_363 : vector<1x256xf32>
    %div3A_366 = arith.divf %sqrt3A_345, %add3A_365 : vector<1x256xf32>
    %sub3A_367 = arith.constant 1.000000e+00 : f32
    %sub3A_368 = vector.broadcast %sub3A_367 : f32 to vector<1x256xf32>
    %sub3A_369 = arith.subf %sub3A_368, %div3A_366 : vector<1x256xf32>
    %jit3A_370 = arith.constant 0.000000e+00 : f32
    %broadcast_in_dim3A_371 = vector.shape_cast %sub3A_369 : vector<1x256xf32> to vector<1x256xf32>
    %broadcast_in_dim3A_372 = vector.broadcast %broadcast_in_dim3A_371 : vector<1x256xf32> to vector<128x256xf32>
    %broadcast_in_dim3A_373 = vector.broadcast %jit3A_370 : f32 to vector<128x256xf32>
    %select_n3A_374 = arith.select %eq3A_343, %broadcast_in_dim3A_372, %broadcast_in_dim3A_373 : vector<128x256xi1>, vector<128x256xf32>
    %div3A_375 = arith.divf %sqrt3A_353, %add3A_365 : vector<1x256xf32>
    %sub3A_376 = arith.constant 1.000000e+00 : f32
    %sub3A_377 = vector.broadcast %sub3A_376 : f32 to vector<1x256xf32>
    %sub3A_378 = arith.subf %sub3A_377, %div3A_375 : vector<1x256xf32>
    %jit3A_379 = arith.constant 0.000000e+00 : f32
    %broadcast_in_dim3A_380 = vector.shape_cast %sub3A_378 : vector<1x256xf32> to vector<1x256xf32>
    %broadcast_in_dim3A_381 = vector.broadcast %broadcast_in_dim3A_380 : vector<1x256xf32> to vector<128x256xf32>
    %broadcast_in_dim3A_382 = vector.broadcast %jit3A_379 : f32 to vector<128x256xf32>
    %select_n3A_383 = arith.select %eq3A_351, %broadcast_in_dim3A_381, %broadcast_in_dim3A_382 : vector<128x256xi1>, vector<128x256xf32>
    %add3A_384 = arith.addf %select_n3A_374, %select_n3A_383 : vector<128x256xf32>
    %div3A_385 = arith.divf %sqrt3A_363, %add3A_365 : vector<1x256xf32>
    %sub3A_386 = arith.constant 1.000000e+00 : f32
    %sub3A_387 = vector.broadcast %sub3A_386 : f32 to vector<1x256xf32>
    %sub3A_388 = arith.subf %sub3A_387, %div3A_385 : vector<1x256xf32>
    %jit3A_389 = arith.constant 0.000000e+00 : f32
    %broadcast_in_dim3A_390 = vector.shape_cast %sub3A_388 : vector<1x256xf32> to vector<1x256xf32>
    %broadcast_in_dim3A_391 = vector.broadcast %broadcast_in_dim3A_390 : vector<1x256xf32> to vector<128x256xf32>
    %broadcast_in_dim3A_392 = vector.broadcast %jit3A_389 : f32 to vector<128x256xf32>
    %select_n3A_393 = arith.select %eq3A_361, %broadcast_in_dim3A_391, %broadcast_in_dim3A_392 : vector<128x256xi1>, vector<128x256xf32>
    %add3A_394 = arith.addf %add3A_384, %select_n3A_393 : vector<128x256xf32>
    %dot_general3A_395 = arith.constant dense<0.000000e+00> : vector<512x256xf32>
    %dot_general3A_396 = tpu.matmul %slice3A_285, %add3A_394, %dot_general3A_395 {dimension_numbers = #tpu.dot_dimension_numbers<[1], [0], [0], [1], [0, 0, 1, 1], [], []>, transpose_lhs_hint = false} : vector<512x128xf32>, vector<128x256xf32>, vector<512x256xf32> -> vector<512x256xf32>
    %slice3A_397 = vector.extract_strided_slice %add3A_174 {offsets = [0, 128], sizes = [512, 128], strides = [1, 1]} : vector<512x256xf32> to vector<512x128xf32>
    %broadcast_in_dim3A_398 = arith.constant 0.000000e+00 : f32
    %broadcast_in_dim3A_399 = vector.broadcast %broadcast_in_dim3A_398 : f32 to vector<128x256xf32>
    %get3A_400 = arith.constant 1 : index
    %get3A_401 = arith.constant 0 : index
    %get3A_402 = arith.constant 0 : index
    %get3A_403 = vector.load %arg8[%get3A_400, %get3A_401, %get3A_402] : memref<2x128x3xf32, #tpu.memory_space<vmem>>, vector<1x128x3xf32>
    %get3A_404 = vector.shape_cast %get3A_403 : vector<1x128x3xf32> to vector<128x3xf32>
    %slice3A_405 = vector.extract_strided_slice %get3A_404 {offsets = [0, 0], sizes = [128, 1], strides = [1, 1]} : vector<128x3xf32> to vector<128x1xf32>
    %get3A_406 = arith.constant 1 : index
    %get3A_407 = arith.constant 0 : index
    %get3A_408 = arith.constant 0 : index
    %get3A_409 = vector.load %arg7[%get3A_406, %get3A_407, %get3A_408] : memref<2x3x256xf32, #tpu.memory_space<vmem>>, vector<1x3x256xf32>
    %get3A_410 = vector.shape_cast %get3A_409 : vector<1x3x256xf32> to vector<3x256xf32>
    %slice3A_411 = vector.extract_strided_slice %get3A_410 {offsets = [0, 0], sizes = [1, 256], strides = [1, 1]} : vector<3x256xf32> to vector<1x256xf32>
    %sub3A_412 = vector.broadcast %slice3A_405 : vector<128x1xf32> to vector<128x256xf32>
    %sub3A_413 = vector.broadcast %slice3A_411 : vector<1x256xf32> to vector<128x256xf32>
    %sub3A_414 = arith.subf %sub3A_412, %sub3A_413 : vector<128x256xf32>
    %mul3A_415 = arith.mulf %sub3A_414, %sub3A_414 : vector<128x256xf32>
    %add3A_416 = arith.addf %broadcast_in_dim3A_399, %mul3A_415 : vector<128x256xf32>
    %get3A_417 = arith.constant 1 : index
    %get3A_418 = arith.constant 0 : index
    %get3A_419 = arith.constant 0 : index
    %get3A_420 = vector.load %arg8[%get3A_417, %get3A_418, %get3A_419] : memref<2x128x3xf32, #tpu.memory_space<vmem>>, vector<1x128x3xf32>
    %get3A_421 = vector.shape_cast %get3A_420 : vector<1x128x3xf32> to vector<128x3xf32>
    %slice3A_422 = vector.extract_strided_slice %get3A_421 {offsets = [0, 1], sizes = [128, 1], strides = [1, 1]} : vector<128x3xf32> to vector<128x1xf32>
    %get3A_423 = arith.constant 1 : index
    %get3A_424 = arith.constant 0 : index
    %get3A_425 = arith.constant 0 : index
    %get3A_426 = vector.load %arg7[%get3A_423, %get3A_424, %get3A_425] : memref<2x3x256xf32, #tpu.memory_space<vmem>>, vector<1x3x256xf32>
    %get3A_427 = vector.shape_cast %get3A_426 : vector<1x3x256xf32> to vector<3x256xf32>
    %slice3A_428 = vector.extract_strided_slice %get3A_427 {offsets = [1, 0], sizes = [1, 256], strides = [1, 1]} : vector<3x256xf32> to vector<1x256xf32>
    %sub3A_429 = vector.broadcast %slice3A_422 : vector<128x1xf32> to vector<128x256xf32>
    %sub3A_430 = vector.broadcast %slice3A_428 : vector<1x256xf32> to vector<128x256xf32>
    %sub3A_431 = arith.subf %sub3A_429, %sub3A_430 : vector<128x256xf32>
    %mul3A_432 = arith.mulf %sub3A_431, %sub3A_431 : vector<128x256xf32>
    %add3A_433 = arith.addf %add3A_416, %mul3A_432 : vector<128x256xf32>
    %get3A_434 = arith.constant 1 : index
    %get3A_435 = arith.constant 0 : index
    %get3A_436 = arith.constant 0 : index
    %get3A_437 = vector.load %arg8[%get3A_434, %get3A_435, %get3A_436] : memref<2x128x3xf32, #tpu.memory_space<vmem>>, vector<1x128x3xf32>
    %get3A_438 = vector.shape_cast %get3A_437 : vector<1x128x3xf32> to vector<128x3xf32>
    %slice3A_439 = vector.extract_strided_slice %get3A_438 {offsets = [0, 2], sizes = [128, 1], strides = [1, 1]} : vector<128x3xf32> to vector<128x1xf32>
    %get3A_440 = arith.constant 1 : index
    %get3A_441 = arith.constant 0 : index
    %get3A_442 = arith.constant 0 : index
    %get3A_443 = vector.load %arg7[%get3A_440, %get3A_441, %get3A_442] : memref<2x3x256xf32, #tpu.memory_space<vmem>>, vector<1x3x256xf32>
    %get3A_444 = vector.shape_cast %get3A_443 : vector<1x3x256xf32> to vector<3x256xf32>
    %slice3A_445 = vector.extract_strided_slice %get3A_444 {offsets = [2, 0], sizes = [1, 256], strides = [1, 1]} : vector<3x256xf32> to vector<1x256xf32>
    %sub3A_446 = vector.broadcast %slice3A_439 : vector<128x1xf32> to vector<128x256xf32>
    %sub3A_447 = vector.broadcast %slice3A_445 : vector<1x256xf32> to vector<128x256xf32>
    %sub3A_448 = arith.subf %sub3A_446, %sub3A_447 : vector<128x256xf32>
    %mul3A_449 = arith.mulf %sub3A_448, %sub3A_448 : vector<128x256xf32>
    %add3A_450 = arith.addf %add3A_433, %mul3A_449 : vector<128x256xf32>
    %iota3A_451 = tpu.iota {dimensions = array<i32: 0>} : vector<128x256xi32>
    %bitcast_convert_type3A_452 = tpu.bitcast %add3A_450 : vector<128x256xf32> -> vector<128x256xi32>
    %and3A_453 = arith.constant -128 : i32
    %and3A_454 = vector.broadcast %and3A_453 : i32 to vector<128x256xi32>
    %and3A_455 = arith.andi %bitcast_convert_type3A_452, %and3A_454 : vector<128x256xi32>
    %or3A_456 = arith.ori %and3A_455, %iota3A_451 : vector<128x256xi32>
    %reduce_min3A_457 = arith.constant dense<2147483647> : vector<256xi32>
    %reduce_min3A_458 = vector.multi_reduction <minsi>, %or3A_456, %reduce_min3A_457 [0] : vector<128x256xi32> to vector<256xi32>
    %broadcast_in_dim3A_459 = vector.shape_cast %reduce_min3A_458 : vector<256xi32> to vector<1x256xi32>
    %eq3A_460 = vector.broadcast %broadcast_in_dim3A_459 : vector<1x256xi32> to vector<128x256xi32>
    %eq3A_461 = arith.cmpi eq, %or3A_456, %eq3A_460 : vector<128x256xi32>
    %bitcast_convert_type3A_462 = tpu.bitcast %broadcast_in_dim3A_459 : vector<1x256xi32> -> vector<1x256xf32>
    %sqrt3A_463 = math.sqrt %bitcast_convert_type3A_462 : vector<1x256xf32>
    %jit3A_464 = arith.constant 2147483647 : i32
    %broadcast_in_dim3A_465 = vector.broadcast %jit3A_464 : i32 to vector<128x256xi32>
    %select_n3A_466 = arith.select %eq3A_461, %broadcast_in_dim3A_465, %or3A_456 : vector<128x256xi1>, vector<128x256xi32>
    %reduce_min3A_467 = arith.constant dense<2147483647> : vector<256xi32>
    %reduce_min3A_468 = vector.multi_reduction <minsi>, %select_n3A_466, %reduce_min3A_467 [0] : vector<128x256xi32> to vector<256xi32>
    %broadcast_in_dim3A_469 = vector.shape_cast %reduce_min3A_468 : vector<256xi32> to vector<1x256xi32>
    %eq3A_470 = vector.broadcast %broadcast_in_dim3A_469 : vector<1x256xi32> to vector<128x256xi32>
    %eq3A_471 = arith.cmpi eq, %select_n3A_466, %eq3A_470 : vector<128x256xi32>
    %bitcast_convert_type3A_472 = tpu.bitcast %broadcast_in_dim3A_469 : vector<1x256xi32> -> vector<1x256xf32>
    %sqrt3A_473 = math.sqrt %bitcast_convert_type3A_472 : vector<1x256xf32>
    %jit3A_474 = arith.constant 2147483647 : i32
    %broadcast_in_dim3A_475 = vector.broadcast %jit3A_474 : i32 to vector<128x256xi32>
    %select_n3A_476 = arith.select %eq3A_471, %broadcast_in_dim3A_475, %select_n3A_466 : vector<128x256xi1>, vector<128x256xi32>
    %reduce_min3A_477 = arith.constant dense<2147483647> : vector<256xi32>
    %reduce_min3A_478 = vector.multi_reduction <minsi>, %select_n3A_476, %reduce_min3A_477 [0] : vector<128x256xi32> to vector<256xi32>
    %broadcast_in_dim3A_479 = vector.shape_cast %reduce_min3A_478 : vector<256xi32> to vector<1x256xi32>
    %eq3A_480 = vector.broadcast %broadcast_in_dim3A_479 : vector<1x256xi32> to vector<128x256xi32>
    %eq3A_481 = arith.cmpi eq, %select_n3A_476, %eq3A_480 : vector<128x256xi32>
    %bitcast_convert_type3A_482 = tpu.bitcast %broadcast_in_dim3A_479 : vector<1x256xi32> -> vector<1x256xf32>
    %sqrt3A_483 = math.sqrt %bitcast_convert_type3A_482 : vector<1x256xf32>
    %add3A_484 = arith.addf %sqrt3A_463, %sqrt3A_473 : vector<1x256xf32>
    %add3A_485 = arith.addf %add3A_484, %sqrt3A_483 : vector<1x256xf32>
    %div3A_486 = arith.divf %sqrt3A_463, %add3A_485 : vector<1x256xf32>
    %sub3A_487 = arith.constant 1.000000e+00 : f32
    %sub3A_488 = vector.broadcast %sub3A_487 : f32 to vector<1x256xf32>
    %sub3A_489 = arith.subf %sub3A_488, %div3A_486 : vector<1x256xf32>
    %jit3A_490 = arith.constant 0.000000e+00 : f32
    %broadcast_in_dim3A_491 = vector.shape_cast %sub3A_489 : vector<1x256xf32> to vector<1x256xf32>
    %broadcast_in_dim3A_492 = vector.broadcast %broadcast_in_dim3A_491 : vector<1x256xf32> to vector<128x256xf32>
    %broadcast_in_dim3A_493 = vector.broadcast %jit3A_490 : f32 to vector<128x256xf32>
    %select_n3A_494 = arith.select %eq3A_461, %broadcast_in_dim3A_492, %broadcast_in_dim3A_493 : vector<128x256xi1>, vector<128x256xf32>
    %div3A_495 = arith.divf %sqrt3A_473, %add3A_485 : vector<1x256xf32>
    %sub3A_496 = arith.constant 1.000000e+00 : f32
    %sub3A_497 = vector.broadcast %sub3A_496 : f32 to vector<1x256xf32>
    %sub3A_498 = arith.subf %sub3A_497, %div3A_495 : vector<1x256xf32>
    %jit3A_499 = arith.constant 0.000000e+00 : f32
    %broadcast_in_dim3A_500 = vector.shape_cast %sub3A_498 : vector<1x256xf32> to vector<1x256xf32>
    %broadcast_in_dim3A_501 = vector.broadcast %broadcast_in_dim3A_500 : vector<1x256xf32> to vector<128x256xf32>
    %broadcast_in_dim3A_502 = vector.broadcast %jit3A_499 : f32 to vector<128x256xf32>
    %select_n3A_503 = arith.select %eq3A_471, %broadcast_in_dim3A_501, %broadcast_in_dim3A_502 : vector<128x256xi1>, vector<128x256xf32>
    %add3A_504 = arith.addf %select_n3A_494, %select_n3A_503 : vector<128x256xf32>
    %div3A_505 = arith.divf %sqrt3A_483, %add3A_485 : vector<1x256xf32>
    %sub3A_506 = arith.constant 1.000000e+00 : f32
    %sub3A_507 = vector.broadcast %sub3A_506 : f32 to vector<1x256xf32>
    %sub3A_508 = arith.subf %sub3A_507, %div3A_505 : vector<1x256xf32>
    %jit3A_509 = arith.constant 0.000000e+00 : f32
    %broadcast_in_dim3A_510 = vector.shape_cast %sub3A_508 : vector<1x256xf32> to vector<1x256xf32>
    %broadcast_in_dim3A_511 = vector.broadcast %broadcast_in_dim3A_510 : vector<1x256xf32> to vector<128x256xf32>
    %broadcast_in_dim3A_512 = vector.broadcast %jit3A_509 : f32 to vector<128x256xf32>
    %select_n3A_513 = arith.select %eq3A_481, %broadcast_in_dim3A_511, %broadcast_in_dim3A_512 : vector<128x256xi1>, vector<128x256xf32>
    %add3A_514 = arith.addf %add3A_504, %select_n3A_513 : vector<128x256xf32>
    %dot_general3A_515 = arith.constant dense<0.000000e+00> : vector<512x256xf32>
    %dot_general3A_516 = tpu.matmul %slice3A_397, %add3A_514, %dot_general3A_515 {dimension_numbers = #tpu.dot_dimension_numbers<[1], [0], [0], [1], [0, 0, 1, 1], [], []>, transpose_lhs_hint = false} : vector<512x128xf32>, vector<128x256xf32>, vector<512x256xf32> -> vector<512x256xf32>
    %concatenate3A_517 = tpu.concatenate %dot_general3A_396, %dot_general3A_516 in 1 : vector<512x256xf32>, vector<512x256xf32> -> vector<512x512xf32>
    %concatenate3A_518 = tpu.concatenate %concatenate3A_198, %concatenate3A_517, %concatenate3A_284 in 0 : vector<64x512xf32>, vector<512x512xf32>, vector<256x512xf32> -> vector<832x512xf32>
    %get3A_519 = arith.constant 0 : index
    %get3A_520 = arith.constant 0 : index
    %get3A_521 = vector.load %arg19[%get3A_519, %get3A_520] : memref<512x832xf32, #tpu.memory_space<vmem>>, vector<512x832xf32>
    %get3A_522 = arith.constant 0 : index
    %get3A_523 = arith.constant 0 : index
    %get3A_524 = vector.load %arg20[%get3A_522, %get3A_523] : memref<128x512xf32, #tpu.memory_space<vmem>>, vector<128x512xf32>
    %get3A_525 = arith.constant 0 : index
    %get3A_526 = arith.constant 0 : index
    %get3A_527 = vector.load %arg21[%get3A_525, %get3A_526] : memref<128x128xf32, #tpu.memory_space<vmem>>, vector<128x128xf32>
    %get3A_528 = arith.constant 0 : index
    %get3A_529 = arith.constant 0 : index
    %get3A_530 = vector.load %arg22[%get3A_528, %get3A_529] : memref<128x1xf32, #tpu.memory_space<vmem>>, vector<128x1xf32>
    %dot_general3A_531 = arith.constant dense<0.000000e+00> : vector<512x512xf32>
    %dot_general3A_532 = tpu.matmul %get3A_521, %concatenate3A_518, %dot_general3A_531 {dimension_numbers = #tpu.dot_dimension_numbers<[1], [0], [0], [1], [0, 0, 1, 1], [], []>, transpose_lhs_hint = false} : vector<512x832xf32>, vector<832x512xf32>, vector<512x512xf32> -> vector<512x512xf32>
    %reduce_sum3A_533 = arith.constant dense<0.000000e+00> : vector<512xf32>
    %reduce_sum3A_534 = vector.multi_reduction <add>, %dot_general3A_532, %reduce_sum3A_533 [1] : vector<512x512xf32> to vector<512xf32>
    %broadcast_in_dim3A_535 = vector.shape_cast %reduce_sum3A_534 : vector<512xf32> to vector<512x1xf32>
    %div3A_536 = arith.constant 5.120000e+02 : f32
    %div3A_537 = vector.broadcast %div3A_536 : f32 to vector<512x1xf32>
    %div3A_538 = arith.divf %broadcast_in_dim3A_535, %div3A_537 : vector<512x1xf32>
    %sub3A_539 = vector.broadcast %div3A_538 : vector<512x1xf32> to vector<512x512xf32>
    %sub3A_540 = arith.subf %dot_general3A_532, %sub3A_539 : vector<512x512xf32>
    %sub3A_541 = vector.broadcast %div3A_538 : vector<512x1xf32> to vector<512x512xf32>
    %sub3A_542 = arith.subf %dot_general3A_532, %sub3A_541 : vector<512x512xf32>
    %mul3A_543 = arith.mulf %sub3A_540, %sub3A_542 : vector<512x512xf32>
    %reduce_sum3A_544 = arith.constant dense<0.000000e+00> : vector<512xf32>
    %reduce_sum3A_545 = vector.multi_reduction <add>, %mul3A_543, %reduce_sum3A_544 [1] : vector<512x512xf32> to vector<512xf32>
    %broadcast_in_dim3A_546 = vector.shape_cast %reduce_sum3A_545 : vector<512xf32> to vector<512x1xf32>
    %div3A_547 = arith.constant 5.120000e+02 : f32
    %div3A_548 = vector.broadcast %div3A_547 : f32 to vector<512x1xf32>
    %div3A_549 = arith.divf %broadcast_in_dim3A_546, %div3A_548 : vector<512x1xf32>
    %sub3A_550 = vector.broadcast %div3A_538 : vector<512x1xf32> to vector<512x512xf32>
    %sub3A_551 = arith.subf %dot_general3A_532, %sub3A_550 : vector<512x512xf32>
    %add3A_552 = arith.constant 9.99999974E-6 : f32
    %add3A_553 = vector.broadcast %add3A_552 : f32 to vector<512x1xf32>
    %add3A_554 = arith.addf %div3A_549, %add3A_553 : vector<512x1xf32>
    %sqrt3A_555 = math.sqrt %add3A_554 : vector<512x1xf32>
    %div3A_556 = vector.broadcast %sqrt3A_555 : vector<512x1xf32> to vector<512x512xf32>
    %div3A_557 = arith.divf %sub3A_551, %div3A_556 : vector<512x512xf32>
    %max3A_558 = arith.constant 0.000000e+00 : f32
    %max3A_559 = vector.broadcast %max3A_558 : f32 to vector<512x512xf32>
    %max3A_560 = arith.maximumf %div3A_557, %max3A_559 : vector<512x512xf32>
    %dot_general3A_561 = arith.constant dense<0.000000e+00> : vector<128x512xf32>
    %dot_general3A_562 = tpu.matmul %get3A_524, %max3A_560, %dot_general3A_561 {dimension_numbers = #tpu.dot_dimension_numbers<[1], [0], [0], [1], [0, 0, 1, 1], [], []>, transpose_lhs_hint = false} : vector<128x512xf32>, vector<512x512xf32>, vector<128x512xf32> -> vector<128x512xf32>
    %reduce_sum3A_563 = arith.constant dense<0.000000e+00> : vector<128xf32>
    %reduce_sum3A_564 = vector.multi_reduction <add>, %dot_general3A_562, %reduce_sum3A_563 [1] : vector<128x512xf32> to vector<128xf32>
    %broadcast_in_dim3A_565 = vector.shape_cast %reduce_sum3A_564 : vector<128xf32> to vector<128x1xf32>
    %div3A_566 = arith.constant 5.120000e+02 : f32
    %div3A_567 = vector.broadcast %div3A_566 : f32 to vector<128x1xf32>
    %div3A_568 = arith.divf %broadcast_in_dim3A_565, %div3A_567 : vector<128x1xf32>
    %sub3A_569 = vector.broadcast %div3A_568 : vector<128x1xf32> to vector<128x512xf32>
    %sub3A_570 = arith.subf %dot_general3A_562, %sub3A_569 : vector<128x512xf32>
    %sub3A_571 = vector.broadcast %div3A_568 : vector<128x1xf32> to vector<128x512xf32>
    %sub3A_572 = arith.subf %dot_general3A_562, %sub3A_571 : vector<128x512xf32>
    %mul3A_573 = arith.mulf %sub3A_570, %sub3A_572 : vector<128x512xf32>
    %reduce_sum3A_574 = arith.constant dense<0.000000e+00> : vector<128xf32>
    %reduce_sum3A_575 = vector.multi_reduction <add>, %mul3A_573, %reduce_sum3A_574 [1] : vector<128x512xf32> to vector<128xf32>
    %broadcast_in_dim3A_576 = vector.shape_cast %reduce_sum3A_575 : vector<128xf32> to vector<128x1xf32>
    %div3A_577 = arith.constant 5.120000e+02 : f32
    %div3A_578 = vector.broadcast %div3A_577 : f32 to vector<128x1xf32>
    %div3A_579 = arith.divf %broadcast_in_dim3A_576, %div3A_578 : vector<128x1xf32>
    %sub3A_580 = vector.broadcast %div3A_568 : vector<128x1xf32> to vector<128x512xf32>
    %sub3A_581 = arith.subf %dot_general3A_562, %sub3A_580 : vector<128x512xf32>
    %add3A_582 = arith.constant 9.99999974E-6 : f32
    %add3A_583 = vector.broadcast %add3A_582 : f32 to vector<128x1xf32>
    %add3A_584 = arith.addf %div3A_579, %add3A_583 : vector<128x1xf32>
    %sqrt3A_585 = math.sqrt %add3A_584 : vector<128x1xf32>
    %div3A_586 = vector.broadcast %sqrt3A_585 : vector<128x1xf32> to vector<128x512xf32>
    %div3A_587 = arith.divf %sub3A_581, %div3A_586 : vector<128x512xf32>
    %max3A_588 = arith.constant 0.000000e+00 : f32
    %max3A_589 = vector.broadcast %max3A_588 : f32 to vector<128x512xf32>
    %max3A_590 = arith.maximumf %div3A_587, %max3A_589 : vector<128x512xf32>
    %dot_general3A_591 = arith.constant dense<0.000000e+00> : vector<128x512xf32>
    %dot_general3A_592 = tpu.matmul %get3A_527, %max3A_590, %dot_general3A_591 {dimension_numbers = #tpu.dot_dimension_numbers<[1], [0], [0], [1], [0, 0, 1, 1], [], []>, transpose_lhs_hint = false} : vector<128x128xf32>, vector<128x512xf32>, vector<128x512xf32> -> vector<128x512xf32>
    %add3A_593 = vector.broadcast %get3A_530 : vector<128x1xf32> to vector<128x512xf32>
    %add3A_594 = arith.addf %dot_general3A_592, %add3A_593 : vector<128x512xf32>
    %slice3A_595 = vector.extract_strided_slice %add3A_594 {offsets = [0, 0], sizes = [128, 256], strides = [1, 1]} : vector<128x512xf32> to vector<128x256xf32>
    %swap3A_596 = arith.constant 0 : index
    %swap3A_597 = arith.constant 0 : index
    %swap3A_598 = arith.constant 0 : index
    %swap3A_599 = vector.load %arg24[%swap3A_596, %swap3A_597, %swap3A_598] : memref<2x128x256xf32, #tpu.memory_space<vmem>>, vector<1x128x256xf32>
    %swap3A_600 = vector.shape_cast %swap3A_599 : vector<1x128x256xf32> to vector<128x256xf32>
    %swap3A_601 = vector.shape_cast %slice3A_595 : vector<128x256xf32> to vector<1x128x256xf32>
    tpu.vector_store %arg24[%swap3A_596, %swap3A_597, %swap3A_598], %swap3A_601 {strides = array<i32>} : memref<2x128x256xf32, #tpu.memory_space<vmem>>, vector<1x128x256xf32>,
    %slice3A_602 = vector.extract_strided_slice %add3A_594 {offsets = [0, 256], sizes = [128, 256], strides = [1, 1]} : vector<128x512xf32> to vector<128x256xf32>
    %swap3A_603 = arith.constant 1 : index
    %swap3A_604 = arith.constant 0 : index
    %swap3A_605 = arith.constant 0 : index
    %swap3A_606 = vector.load %arg24[%swap3A_603, %swap3A_604, %swap3A_605] : memref<2x128x256xf32, #tpu.memory_space<vmem>>, vector<1x128x256xf32>
    %swap3A_607 = vector.shape_cast %swap3A_606 : vector<1x128x256xf32> to vector<128x256xf32>
    %swap3A_608 = vector.shape_cast %slice3A_602 : vector<128x256xf32> to vector<1x128x256xf32>
    tpu.vector_store %arg24[%swap3A_603, %swap3A_604, %swap3A_605], %swap3A_608 {strides = array<i32>} : memref<2x128x256xf32, #tpu.memory_space<vmem>>, vector<1x128x256xf32>,
    return
  }
}

module attributes {stable_mosaic.version = 14 : i64} {
  func.func @_interp_pb_body(%arg0: i32, %arg1: i32, %arg2: memref<1x3x4096xf32, #tpu.memory_space<vmem>>, %arg3: memref<1x128x3xf32, #tpu.memory_space<vmem>>, %arg4: memref<1x512x128xf32, #tpu.memory_space<vmem>>, %arg5: memref<1x512x4096xf32, #tpu.memory_space<vmem>>) attributes {dimension_semantics = [#tpu.dimension_semantics<arbitrary>, #tpu.dimension_semantics<arbitrary>], iteration_bounds = array<i64: 2, 5>, scalar_prefetch = 0 : i64, scratch_operands = 0 : i64, tpu.core_type = #tpu.core_type<tc>, window_params = [{transform_indices = @transform_0, window_bounds = array<i64: 1, 3, 4096>}, {transform_indices = @transform_1, window_bounds = array<i64: 1, 128, 3>}, {transform_indices = @transform_2, window_bounds = array<i64: 1, 512, 128>}, {transform_indices = @transform_3, window_bounds = array<i64: 1, 512, 4096>}]} {
    %get3A = arith.constant 0 : index
    %get3A_0 = arith.constant 0 : index
    %get3A_1 = arith.constant 0 : index
    %get3A_2 = vector.load %arg2[%get3A, %get3A_0, %get3A_1] : memref<1x3x4096xf32, #tpu.memory_space<vmem>>, vector<1x3x4096xf32>
    %get3A_3 = vector.shape_cast %get3A_2 : vector<1x3x4096xf32> to vector<3x4096xf32>
    %broadcast_in_dim3A = arith.constant 0.000000e+00 : f32
    %broadcast_in_dim3A_4 = vector.broadcast %broadcast_in_dim3A : f32 to vector<128x4096xf32>
    %get3A_5 = arith.constant 0 : index
    %get3A_6 = arith.constant 0 : index
    %get3A_7 = arith.constant 0 : index
    %get3A_8 = vector.load %arg3[%get3A_5, %get3A_6, %get3A_7] : memref<1x128x3xf32, #tpu.memory_space<vmem>>, vector<1x128x3xf32>
    %get3A_9 = vector.shape_cast %get3A_8 : vector<1x128x3xf32> to vector<128x3xf32>
    %slice3A = vector.extract_strided_slice %get3A_9 {offsets = [0, 0], sizes = [128, 1], strides = [1, 1]} : vector<128x3xf32> to vector<128x1xf32>
    %slice3A_10 = vector.extract_strided_slice %get3A_3 {offsets = [0, 0], sizes = [1, 4096], strides = [1, 1]} : vector<3x4096xf32> to vector<1x4096xf32>
    %sub3A = vector.broadcast %slice3A : vector<128x1xf32> to vector<128x4096xf32>
    %sub3A_11 = vector.broadcast %slice3A_10 : vector<1x4096xf32> to vector<128x4096xf32>
    %sub3A_12 = arith.subf %sub3A, %sub3A_11 : vector<128x4096xf32>
    %mul3A = arith.mulf %sub3A_12, %sub3A_12 : vector<128x4096xf32>
    %add3A = arith.addf %broadcast_in_dim3A_4, %mul3A : vector<128x4096xf32>
    %get3A_13 = arith.constant 0 : index
    %get3A_14 = arith.constant 0 : index
    %get3A_15 = arith.constant 0 : index
    %get3A_16 = vector.load %arg3[%get3A_13, %get3A_14, %get3A_15] : memref<1x128x3xf32, #tpu.memory_space<vmem>>, vector<1x128x3xf32>
    %get3A_17 = vector.shape_cast %get3A_16 : vector<1x128x3xf32> to vector<128x3xf32>
    %slice3A_18 = vector.extract_strided_slice %get3A_17 {offsets = [0, 1], sizes = [128, 1], strides = [1, 1]} : vector<128x3xf32> to vector<128x1xf32>
    %slice3A_19 = vector.extract_strided_slice %get3A_3 {offsets = [1, 0], sizes = [1, 4096], strides = [1, 1]} : vector<3x4096xf32> to vector<1x4096xf32>
    %sub3A_20 = vector.broadcast %slice3A_18 : vector<128x1xf32> to vector<128x4096xf32>
    %sub3A_21 = vector.broadcast %slice3A_19 : vector<1x4096xf32> to vector<128x4096xf32>
    %sub3A_22 = arith.subf %sub3A_20, %sub3A_21 : vector<128x4096xf32>
    %mul3A_23 = arith.mulf %sub3A_22, %sub3A_22 : vector<128x4096xf32>
    %add3A_24 = arith.addf %add3A, %mul3A_23 : vector<128x4096xf32>
    %get3A_25 = arith.constant 0 : index
    %get3A_26 = arith.constant 0 : index
    %get3A_27 = arith.constant 0 : index
    %get3A_28 = vector.load %arg3[%get3A_25, %get3A_26, %get3A_27] : memref<1x128x3xf32, #tpu.memory_space<vmem>>, vector<1x128x3xf32>
    %get3A_29 = vector.shape_cast %get3A_28 : vector<1x128x3xf32> to vector<128x3xf32>
    %slice3A_30 = vector.extract_strided_slice %get3A_29 {offsets = [0, 2], sizes = [128, 1], strides = [1, 1]} : vector<128x3xf32> to vector<128x1xf32>
    %slice3A_31 = vector.extract_strided_slice %get3A_3 {offsets = [2, 0], sizes = [1, 4096], strides = [1, 1]} : vector<3x4096xf32> to vector<1x4096xf32>
    %sub3A_32 = vector.broadcast %slice3A_30 : vector<128x1xf32> to vector<128x4096xf32>
    %sub3A_33 = vector.broadcast %slice3A_31 : vector<1x4096xf32> to vector<128x4096xf32>
    %sub3A_34 = arith.subf %sub3A_32, %sub3A_33 : vector<128x4096xf32>
    %mul3A_35 = arith.mulf %sub3A_34, %sub3A_34 : vector<128x4096xf32>
    %add3A_36 = arith.addf %add3A_24, %mul3A_35 : vector<128x4096xf32>
    %iota3A = tpu.iota {dimensions = array<i32: 0>} : vector<128x4096xi32>
    %bitcast_convert_type3A = tpu.bitcast %add3A_36 : vector<128x4096xf32> -> vector<128x4096xi32>
    %and3A = arith.constant -128 : i32
    %and3A_37 = vector.broadcast %and3A : i32 to vector<128x4096xi32>
    %and3A_38 = arith.andi %bitcast_convert_type3A, %and3A_37 : vector<128x4096xi32>
    %or3A = arith.ori %and3A_38, %iota3A : vector<128x4096xi32>
    %reduce_min3A = arith.constant dense<2147483647> : vector<4096xi32>
    %reduce_min3A_39 = vector.multi_reduction <minsi>, %or3A, %reduce_min3A [0] : vector<128x4096xi32> to vector<4096xi32>
    %broadcast_in_dim3A_40 = vector.shape_cast %reduce_min3A_39 : vector<4096xi32> to vector<1x4096xi32>
    %eq3A = vector.broadcast %broadcast_in_dim3A_40 : vector<1x4096xi32> to vector<128x4096xi32>
    %eq3A_41 = arith.cmpi eq, %or3A, %eq3A : vector<128x4096xi32>
    %bitcast_convert_type3A_42 = tpu.bitcast %broadcast_in_dim3A_40 : vector<1x4096xi32> -> vector<1x4096xf32>
    %sqrt3A = math.sqrt %bitcast_convert_type3A_42 : vector<1x4096xf32>
    %jit3A = arith.constant 2147483647 : i32
    %broadcast_in_dim3A_43 = vector.broadcast %jit3A : i32 to vector<128x4096xi32>
    %select_n3A = arith.select %eq3A_41, %broadcast_in_dim3A_43, %or3A : vector<128x4096xi1>, vector<128x4096xi32>
    %reduce_min3A_44 = arith.constant dense<2147483647> : vector<4096xi32>
    %reduce_min3A_45 = vector.multi_reduction <minsi>, %select_n3A, %reduce_min3A_44 [0] : vector<128x4096xi32> to vector<4096xi32>
    %broadcast_in_dim3A_46 = vector.shape_cast %reduce_min3A_45 : vector<4096xi32> to vector<1x4096xi32>
    %eq3A_47 = vector.broadcast %broadcast_in_dim3A_46 : vector<1x4096xi32> to vector<128x4096xi32>
    %eq3A_48 = arith.cmpi eq, %select_n3A, %eq3A_47 : vector<128x4096xi32>
    %bitcast_convert_type3A_49 = tpu.bitcast %broadcast_in_dim3A_46 : vector<1x4096xi32> -> vector<1x4096xf32>
    %sqrt3A_50 = math.sqrt %bitcast_convert_type3A_49 : vector<1x4096xf32>
    %jit3A_51 = arith.constant 2147483647 : i32
    %broadcast_in_dim3A_52 = vector.broadcast %jit3A_51 : i32 to vector<128x4096xi32>
    %select_n3A_53 = arith.select %eq3A_48, %broadcast_in_dim3A_52, %select_n3A : vector<128x4096xi1>, vector<128x4096xi32>
    %reduce_min3A_54 = arith.constant dense<2147483647> : vector<4096xi32>
    %reduce_min3A_55 = vector.multi_reduction <minsi>, %select_n3A_53, %reduce_min3A_54 [0] : vector<128x4096xi32> to vector<4096xi32>
    %broadcast_in_dim3A_56 = vector.shape_cast %reduce_min3A_55 : vector<4096xi32> to vector<1x4096xi32>
    %eq3A_57 = vector.broadcast %broadcast_in_dim3A_56 : vector<1x4096xi32> to vector<128x4096xi32>
    %eq3A_58 = arith.cmpi eq, %select_n3A_53, %eq3A_57 : vector<128x4096xi32>
    %bitcast_convert_type3A_59 = tpu.bitcast %broadcast_in_dim3A_56 : vector<1x4096xi32> -> vector<1x4096xf32>
    %sqrt3A_60 = math.sqrt %bitcast_convert_type3A_59 : vector<1x4096xf32>
    %add3A_61 = arith.addf %sqrt3A, %sqrt3A_50 : vector<1x4096xf32>
    %add3A_62 = arith.addf %add3A_61, %sqrt3A_60 : vector<1x4096xf32>
    %div3A = arith.divf %sqrt3A, %add3A_62 : vector<1x4096xf32>
    %sub3A_63 = arith.constant 1.000000e+00 : f32
    %sub3A_64 = vector.broadcast %sub3A_63 : f32 to vector<1x4096xf32>
    %sub3A_65 = arith.subf %sub3A_64, %div3A : vector<1x4096xf32>
    %jit3A_66 = arith.constant 0.000000e+00 : f32
    %broadcast_in_dim3A_67 = vector.shape_cast %sub3A_65 : vector<1x4096xf32> to vector<1x4096xf32>
    %broadcast_in_dim3A_68 = vector.broadcast %broadcast_in_dim3A_67 : vector<1x4096xf32> to vector<128x4096xf32>
    %broadcast_in_dim3A_69 = vector.broadcast %jit3A_66 : f32 to vector<128x4096xf32>
    %select_n3A_70 = arith.select %eq3A_41, %broadcast_in_dim3A_68, %broadcast_in_dim3A_69 : vector<128x4096xi1>, vector<128x4096xf32>
    %div3A_71 = arith.divf %sqrt3A_50, %add3A_62 : vector<1x4096xf32>
    %sub3A_72 = arith.constant 1.000000e+00 : f32
    %sub3A_73 = vector.broadcast %sub3A_72 : f32 to vector<1x4096xf32>
    %sub3A_74 = arith.subf %sub3A_73, %div3A_71 : vector<1x4096xf32>
    %jit3A_75 = arith.constant 0.000000e+00 : f32
    %broadcast_in_dim3A_76 = vector.shape_cast %sub3A_74 : vector<1x4096xf32> to vector<1x4096xf32>
    %broadcast_in_dim3A_77 = vector.broadcast %broadcast_in_dim3A_76 : vector<1x4096xf32> to vector<128x4096xf32>
    %broadcast_in_dim3A_78 = vector.broadcast %jit3A_75 : f32 to vector<128x4096xf32>
    %select_n3A_79 = arith.select %eq3A_48, %broadcast_in_dim3A_77, %broadcast_in_dim3A_78 : vector<128x4096xi1>, vector<128x4096xf32>
    %add3A_80 = arith.addf %select_n3A_70, %select_n3A_79 : vector<128x4096xf32>
    %div3A_81 = arith.divf %sqrt3A_60, %add3A_62 : vector<1x4096xf32>
    %sub3A_82 = arith.constant 1.000000e+00 : f32
    %sub3A_83 = vector.broadcast %sub3A_82 : f32 to vector<1x4096xf32>
    %sub3A_84 = arith.subf %sub3A_83, %div3A_81 : vector<1x4096xf32>
    %jit3A_85 = arith.constant 0.000000e+00 : f32
    %broadcast_in_dim3A_86 = vector.shape_cast %sub3A_84 : vector<1x4096xf32> to vector<1x4096xf32>
    %broadcast_in_dim3A_87 = vector.broadcast %broadcast_in_dim3A_86 : vector<1x4096xf32> to vector<128x4096xf32>
    %broadcast_in_dim3A_88 = vector.broadcast %jit3A_85 : f32 to vector<128x4096xf32>
    %select_n3A_89 = arith.select %eq3A_58, %broadcast_in_dim3A_87, %broadcast_in_dim3A_88 : vector<128x4096xi1>, vector<128x4096xf32>
    %add3A_90 = arith.addf %add3A_80, %select_n3A_89 : vector<128x4096xf32>
    %get3A_91 = arith.constant 0 : index
    %get3A_92 = arith.constant 0 : index
    %get3A_93 = arith.constant 0 : index
    %get3A_94 = vector.load %arg4[%get3A_91, %get3A_92, %get3A_93] : memref<1x512x128xf32, #tpu.memory_space<vmem>>, vector<1x512x128xf32>
    %get3A_95 = vector.shape_cast %get3A_94 : vector<1x512x128xf32> to vector<512x128xf32>
    %dot_general3A = arith.constant dense<0.000000e+00> : vector<512x4096xf32>
    %dot_general3A_96 = tpu.matmul %get3A_95, %add3A_90, %dot_general3A {dimension_numbers = #tpu.dot_dimension_numbers<[1], [0], [0], [1], [0, 0, 1, 1], [], []>, transpose_lhs_hint = false} : vector<512x128xf32>, vector<128x4096xf32>, vector<512x4096xf32> -> vector<512x4096xf32>
    %swap3A = arith.constant 0 : index
    %swap3A_97 = arith.constant 0 : index
    %swap3A_98 = arith.constant 0 : index
    %swap3A_99 = vector.load %arg5[%swap3A, %swap3A_97, %swap3A_98] : memref<1x512x4096xf32, #tpu.memory_space<vmem>>, vector<1x512x4096xf32>
    %swap3A_100 = vector.shape_cast %swap3A_99 : vector<1x512x4096xf32> to vector<512x4096xf32>
    %swap3A_101 = vector.shape_cast %dot_general3A_96 : vector<512x4096xf32> to vector<1x512x4096xf32>
    tpu.vector_store %arg5[%swap3A, %swap3A_97, %swap3A_98], %swap3A_101 {strides = array<i32>} : memref<1x512x4096xf32, #tpu.memory_space<vmem>>, vector<1x512x4096xf32>,
    return
  }
  func.func @transform_0(%arg0: i32, %arg1: i32) -> (i32, i32, i32) {
    %c0_i32 = arith.constant 0 : i32
    %c0_i32_0 = arith.constant 0 : i32
    return %arg0, %c0_i32, %arg1 : i32, i32, i32
  }
  func.func @transform_1(%arg0: i32, %arg1: i32) -> (i32, i32, i32) {
    %c0_i32 = arith.constant 0 : i32
    %c0_i32_0 = arith.constant 0 : i32
    %c0_i32_1 = arith.constant 0 : i32
    return %arg0, %c0_i32, %c0_i32_0 : i32, i32, i32
  }
  func.func @transform_2(%arg0: i32, %arg1: i32) -> (i32, i32, i32) {
    %c0_i32 = arith.constant 0 : i32
    %c0_i32_0 = arith.constant 0 : i32
    %c0_i32_1 = arith.constant 0 : i32
    return %arg0, %c0_i32, %c0_i32_0 : i32, i32, i32
  }
  func.func @transform_3(%arg0: i32, %arg1: i32) -> (i32, i32, i32) {
    %c0_i32 = arith.constant 0 : i32
    %c0_i32_0 = arith.constant 0 : i32
    return %arg0, %c0_i32, %arg1 : i32, i32, i32
  }
}

</mosaic_0001>

<sc_bundles>
// kernel: kernel.5.cloned.1.call-start
scs
__scs_entry_jumppad:
0x0: {  	(pc) =	sbr.rel $0x88, $3  }
0x1: {  	(tag) =	ssettag $0x0;
	lr =	simm.s32 $0x1  }
0x2: {  	[smem:$0x3F88] =	sst lr;
	_ =	strace $0xD0000000  }
0x3: {  	_ = 	snop  }
0x4: {  	_ = 	snop  }
0x5: {  	_ = 	snop  }
0x6: {  	_ = 	snop  }
0x7: {  	_ = 	snop  }
__scs_overlays_trampoline_lowered:
0x8: {  	[smem:$0x3F97] =	sst s0  }
0x9: {  	[smem:$0x3F98] =	sst s1  }
0xa: {  	[smem:$0x3F99] =	sst s2  }
0xb: {  	[smem:$0x3F9A] =	sst s3  }
0xc: {  	[smem:$0x3F9B] =	sst s4  }
0xd: {  	[smem:$0x3F9C] =	sst s5  }
0xe: {  	[smem:$0x3F9D] =	sst s6  }
0xf: {  	[smem:$0x3F9E] =	sst s7  }
0x10: {  	[smem:$0x3F9F] =	sst s8  }
0x11: {  	[smem:$0x3FA0] =	sst s9;
	s0 =	simm.s32 @!p0 $0x0  }
0x12: {  	s1 =	sld [smem:$0x3F86];
	s0 =	simm.s32 @p0 $0x1  }
0x13: {  	[smem:$0x3FA1] =	sst s0;
	s0 =	simm.s32 @!p1 $0x0  }
0x14: {  	s2 =	sld [smem:$0x3F85];
	s0 =	simm.s32 @p1 $0x1  }
0x15: {  	[smem:$0x3FA2] =	sst s0;
	s0 =	simm.s32 @!p2 $0x0  }
0x16: {  	s3 =	sld [smem:$0x3FDB];
	s0 =	simm.s32 @p2 $0x1  }
0x17: {  	s4 =	simm.s32 $0x1BF5;
	[smem:$0x3FA4] =	sst s0  }
0x18: {  	s0 =	sld [smem:$0x3F87];
	_ =	swait.ge [sflag:s4], $0x0  }
0x19: {  	s7 =	sld [smem:$0x3F88]  }
0x1a: {  	s8 =	sadd.s32 $0xFFFFE003, lr  }
0x1b: {  	s9 =	sadd.s32 $0xFFFFFEF7, lr;
	s5 =	simm.s32 $0xFFFFFFFF;
	p2 =	slt.u32 s8, $0xFFFFF086  }
0x1c: {  	p1 =	slt.u32 s9, $0xF7A;
	s5 =	simm.s32 @!p2 $0x0  }
0x1d: {  	s5 =	simm.s32 @p1 $0x1;
	p0 =	seq.s32 s7, s2  }
0x1e: {  	s7 =	smul.u32 @!p0 $0xF7A, s2;
	p2 =	seq.s32 @!p0 s5, $0x0  }
0x1f: {  	s9 =	smul.u32 $0xF7A, s1;
	s8 =	simm.s32 @!p0 $0x1BF5;
	p2 =	por !p2, p0  }
0x20: {  	[sflag:s8] =	ssyncset.s32 @!p0 $0xFFFFF086;
	s6 =	sadd.s32 @!p0 s3, s7;
	s7 =	simm.s32 @!p0 $0x108  }
0x21: {  	s3 =	sadd.s32 s3, s9;
	s6 =	sadd.s32 @!p0 $0x88, s6;
	s7 =	simm.s32 @p2 $0x1082  }
0x22: {  	[simem:s7], [sflag:s8] =	dma.local @!p0 [hbm:s6], $0xF7A  }
0x23: {  	s9 =	sor.u32 $0xD0000000, s2;
	s6 =	simm.s32 $0x108;
	_ =	swait.ge @!p0 [sflag:s8], $0x0  }
0x24: {  	s3 =	sadd.s32 $0x88, s3;
	s6 =	simm.s32 @!p1 $0x1082;
	[sflag:s4] =	ssyncset.s32 $0xFFFFF086  }
0x25: {  	[simem:s6], [sflag:s4] =	dma.local [hbm:s3], $0xF7A  }
0x26: {  	[smem:$0x3F88] =	sst s1;
	(tag) =	ssettag s2;
	_ =	strace s9  }
0x27: {  	s1 =	sld [smem:$0x3F98]  }
0x28: {  	s2 =	sld [smem:$0x3F99]  }
0x29: {  	s4 =	sld [smem:$0x3F9B]  }
0x2a: {  	p0 =	seq.s32 s5, $0x0;
	s5 =	sld [smem:$0x3F9C]  }
0x2b: {  	s6 =	sld [smem:$0x3F9D]  }
0x2c: {  	s7 =	sld [smem:$0x3F9E]  }
0x2d: {  	s3 =	simm.s32 $0x108;
	s8 =	sld [smem:$0x3F9F]  }
0x2e: {  	s3 =	simm.s32 @!p0 $0x1082;
	s9 =	sld [smem:$0x3FA0]  }
0x2f: {  	lr =	sadd.s32 s0, s3;
	s0 =	sld [smem:$0x3F97]  }
0x30: {  	s3 =	sld [smem:$0x3F9A]  }
0x31: {  	[smem:$0x3FA3] =	sst s10  }
0x32: {  	s10 =	sld [smem:$0x3FA1];
	_ =	sdelay $0x3  }
0x33: {  	p0 =	seq.s32 s10, $0x1;
	s10 =	sld [smem:$0x3FA3];
	_ =	sdelay $0x3  }
0x34: {  	[smem:$0x3FA3] =	sst s10  }
0x35: {  	s10 =	sld [smem:$0x3FA2];
	_ =	sdelay $0x3  }
0x36: {  	p1 =	seq.s32 s10, $0x1;
	s10 =	sld [smem:$0x3FA3];
	_ =	sdelay $0x3  }
0x37: {  	[smem:$0x3FA3] =	sst s10  }
0x38: {  	s10 =	sld [smem:$0x3FA4]  }
0x39: {  	_ = 	snop;
	(pc) =	sbr.ind lr, $3  }
0x3a: {  	_ = 	snop  }
0x3b: {  	_ = 	snop  }
0x3c: {  	p2 =	seq.s32 s10, $0x1;
	s10 =	sld [smem:$0x3FA3]  }
0x3d: {  	_ =	shalt  }
0x3e: {  	_ =	shalt  }
0x3f: {  	_ =	shalt  }
0x40: {  	_ =	shalt  }
0x41: {  	_ =	shalt  }
0x42: {  	_ =	shalt  }
0x43: {  	_ =	shalt  }
0x44: {  	_ =	shalt  }
0x45: {  	_ =	shalt  }
0x46: {  	_ =	shalt  }
0x47: {  	_ =	shalt  }
0x48: {  	_ =	shalt  }
0x49: {  	_ =	shalt  }
0x4a: {  	_ =	shalt  }
0x4b: {  	_ =	shalt  }
0x4c: {  	_ =	shalt  }
0x4d: {  	_ =	shalt  }
0x4e: {  	_ =	shalt  }
0x4f: {  	_ =	shalt  }
0x50: {  	_ =	shalt  }
0x51: {  	_ =	shalt  }
0x52: {  	_ =	shalt  }
0x53: {  	_ =	shalt  }
0x54: {  	_ =	shalt  }
0x55: {  	_ =	shalt  }
0x56: {  	_ =	shalt  }
0x57: {  	_ =	shalt  }
0x58: {  	_ =	shalt  }
0x59: {  	_ =	shalt  }
0x5a: {  	_ =	shalt  }
0x5b: {  	_ =	shalt  }
0x5c: {  	_ =	shalt  }
0x5d: {  	_ =	shalt  }
0x5e: {  	_ =	shalt  }
0x5f: {  	_ =	shalt  }
0x60: {  	_ =	shalt  }
0x61: {  	_ =	shalt  }
0x62: {  	_ =	shalt  }
0x63: {  	_ =	shalt  }
0x64: {  	_ =	shalt  }
0x65: {  	_ =	shalt  }
0x66: {  	_ =	shalt  }
0x67: {  	_ =	shalt  }
0x68: {  	_ =	shalt  }
0x69: {  	_ =	shalt  }
0x6a: {  	_ =	shalt  }
0x6b: {  	_ =	shalt  }
0x6c: {  	_ =	shalt  }
0x6d: {  	_ =	shalt  }
0x6e: {  	_ =	shalt  }
0x6f: {  	_ =	shalt  }
0x70: {  	_ =	shalt  }
0x71: {  	_ =	shalt  }
0x72: {  	_ =	shalt  }
0x73: {  	_ =	shalt  }
0x74: {  	_ =	shalt  }
0x75: {  	_ =	shalt  }
0x76: {  	_ =	shalt  }
0x77: {  	_ =	shalt  }
0x78: {  	_ =	shalt  }
0x79: {  	_ =	shalt  }
0x7a: {  	_ =	shalt  }
0x7b: {  	_ =	shalt  }
0x7c: {  	_ =	shalt  }
0x7d: {  	_ =	shalt  }
0x7e: {  	_ =	shalt  }
0x7f: {  	_ =	shalt  }
0x80: {  	_ =	shalt  }
0x81: {  	_ =	shalt  }
0x82: {  	_ =	shalt  }
0x83: {  	_ =	shalt  }
0x84: {  	_ =	shalt  }
0x85: {  	_ =	shalt  }
0x86: {  	_ =	shalt  }
0x87: {  	_ =	shalt  }
.Lfunc_end0:
.L_simem_size_0:
called_computation_lowered:
.L_overlay_start_0:
0x88: {  	s2 =	sld [smem:$0x3FD9]  }
0x89: {  	s3 =	sld [smem:$0x3FFE];
	_ =	sdelay $0x1  }
0x8a: {  	s1 =	srdreg.scid  }
0x8b: {  	s0 =	sand.u32 $0x1, s1  }
0x8c: {  	s14 =	sshll.u32 s0, $0xA;
	s2 =	sadd.s32 s3, s2  }
0x8d: {  	s2 =	sadd.s32 s2, s14  }
0x8e: {  	[smem:$0x3FAF] =	sst s2  }
0x8f: {  	_ = 	snop  }
0x90: {  	s2 =	sld [smem:$0x3FD0];
	_ =	sdelay $0x2  }
0x91: {  	s4 =	simm.s32 $0xA;
	s5 =	simm.s32 $0x10;
	s15 =	sld [smem:$0x3FC8]  }
0x92: {  	[smem:s5], [sflag:s4] =	dma.local [hbm:s2], $0x1  }
0x93: {  	_ =	swait.eq [sflag:s4], $0x1  }
0x94: {  	[sflag:s4] =	ssyncset.done $0x0  }
0x95: {  	[sflag:s4] =	ssyncadd.s32 $0xFFFFFFFF  }
0x96: {  	s16 =	sld [smem:$0x10];
	(tm) =	ssettm $0x1  }
0x97: {  	s17 =	sld [smem:$0x3FFB];
	_ =	sdelay $0x3  }
0x98: {  	_ =	strace s17  }
0x99: {  	s4 =	sld [smem:$0x3FFC];
	_ =	sdelay $0x3  }
0x9a: {  	_ =	strace s4  }
0x9b: {  	s4 =	sld [smem:$0x3FFD];
	_ =	sdelay $0x3  }
0x9c: {  	_ =	strace s4  }
0x9d: {  	_ =	strace $0x8FFFFFFF  }
0x9e: {  	s18 =	sld [smem:$0x3FDB];
	_ =	sdelay $0x1  }
0x9f: {  	s19 =	simm.s32 $_scs_section_size  }
0xa0: {  	s6 =	simm.s32 $_size__tile_overlayer_lowered;
	s7 =	simm.s32 $_tile_overlayer_lowered  }
0xa1: {  	s22 =	simm.s32 $0x1BFF;
	s21 =	sshll.u32 s7, $0x1;
	s4 =	sadd.s32 s19, s18  }
0xa2: {  	s8 =	simm.s32 $0x0;
	s20 =	sshll.u32 s6, $0x1;
	s6 =	sadd.s32 s21, s4  }
0xa3: {  	[timem:s8], [sflag:s22] =	dma.local [hbm:s6], s20  }
0xa4: {  	_ =	swait.ge [sflag:s22], s20  }
0xa5: {  	s5 =	ssub.s32 $0x0, s20;
	[sflag:s22] =	ssyncset.done $0x0  }
0xa6: {  	[sflag:s22] =	ssyncadd.s32 s5;
	_ =	sdelay $0x1  }
0xa7: {  	s23 =	simm.s32 $0x1B8B  }
0xa8: {  	_ =	swait.ge [sflag:s23], $0x1  }
0xa9: {  	[sflag:s23] =	ssyncset.done $0x0  }
0xaa: {  	s25 =	simm.s32 $0x1B8E;
	s24 =	sld [smem:$0x3FFE];
	[sflag:s23] =	ssyncadd.s32 $0xFFFFFFFF  }
0xab: {  	s26 =	simm.s32 $execute0_lowered;
	[smem:$0x3FD2] =	sst s25  }
0xac: {  	s6 =	sshll.u32 s26, $0x1;
	_ =	strace $0x80000046;
	[dreg:$0x1] =	wrdreg $0xFFFFFFFF  }
0xad: {  	s28 =	simm.s32 $_size_execute0_lowered;
	s4 =	sadd.s32 s4, s6;
	[dreg:$0x0] =	wrdreg $0x0  }
0xae: {  	s6 =	sshll.u32 s28, $0x1;
	[dreg:$0x2] =	wrdreg s4  }
0xaf: {  	[dreg:$0x3] =	wrdreg s6  }
0xb0: {  	[dreg:$0x4] =	wrdreg $0xC0  }
0xb1: {  	_ =	task [dreg:s8], $0x5FFFF  }
0xb2: {  	[dreg:$0x1] =	wrdreg $0xFFFFFFFF  }
0xb3: {  	[dreg:$0x0] =	wrdreg $0x60  }
0xb4: {  	[dreg:$0x2] =	wrdreg s24  }
0xb5: {  	[dreg:$0x3] =	wrdreg s15  }
0xb6: {  	[dreg:$0x4] =	wrdreg s16  }
0xb7: {  	[dreg:$0x5] =	wrdreg $0x9  }
0xb8: {  	_ =	task.clear_ibuf [dreg:s8], $0x6FFFF;
	_ =	strace $0x90000046  }
0xb9: {  	s29 =	simm.s32 $0x9;
	_ =	strace $0x80000048  }
0xba: {  	_ =	swait.ge [sflag:s29], $0x1  }
0xbb: {  	[sflag:s29] =	ssyncadd.s32 $0xFFFFFFFF  }
0xbc: {  	_ =	strace $0x90000048  }
0xbd: {  	_ =	sfence  }
0xbe: {  	s30 =	sld [smem:$0x0];
	_ =	sdelay $0x2  }
0xbf: {  	s31 =	sshll.u32 s1, $0xD;
	s1 =	sshrl.u32 s1, $0x2  }
0xc0: {  	s3 =	sand.u32 $0x4000, s31;
	s1 =	sadd.s32 s1, s30  }
0xc1: {  	s0 =	sor.u32 s3, s0;
	s1 =	sshll.u32 s1, $0x11  }
0xc2: {  	s0 =	sor.u32 s1, s0  }
0xc3: {  	s0 =	sadd.s32 $0x8F2B, s0  }
0xc4: {  	[sflag:s0] =	ssyncadd.remote.s32 $0x1  }
0xc5: {  	_ =	sfence.sel $0xFFFF  }
0xc6: {  	[dreg:$0x0] =	wrdreg $0xFFFFFFFF;
	(pc) =	sbr.abs _section_cstart, $3  }
0xc7: {  	[dreg:$0x1] =	wrdreg $0xFFFFFFFF  }
0xc8: {  	_ =	task.clear_ibuf [dreg:s8], $0x2FFFF;
	_ =	strace $0x9FFFFFFF  }
0xc9: {  	(tm) =	ssettm $0x7FFFFFFF  }
tec
execute0_lowered:
.L_overlay_start_1:
0x0: {  	(tag) =	ssettag $0x1  }
0x1: {  	s8 =	rddreg [dreg:$0x0]  }
0x2: {  	s2 =	rddreg [dreg:$0x1]  }
0x3: {  	s7 =	rddreg [dreg:$0x2];
	s4 =	srdreg.scid  }
0x4: {  	s1 =	stileid.u32;
	s3 =	simm.s32 $0x0;
	s15 =	simm.s32 $0x100  }
0x5: {  	s16 =	simm.s32 $0x1;
	s17 =	simm.s32 $0x8000;
	s18 =	simm.s32 $0x8300  }
0x6: {  	s19 =	simm.s32 $0x8D00;
	s20 =	simm.s32 $0x9700;
	s21 =	simm.s32 $0x1400  }
0x7: {  	s22 =	simm.s32 $0x28000;
	s5 =	sand.u32 $0x1, s4;
	s30 =	sshll.u32 s1, $0x1  }
0x8: {  	s23 =	simm.s32 $0x0;
	[smem:$0x7FF] =	sst s3;
	s6 =	sor.u32 s5, s30  }
0x9: {  	s10 =	sadd.s32 $0x2000, s8;
	s11 =	sadd.s32 $0x7000, s8;
	s9 =	smul.u32 $0xA00, s6  }
0xa: {  	s4 =	sadd.s32 $0xC000, s8;
	s5 =	ssub.s32 $0x2, s5;
	s13 =	smul.u32 $0x280, s6  }
0xb: {  	s8 =	sadd.s32 $0xC010, s8;
	_ =	strace $0x80000047;
	s12 =	sshrl.u32 s5, $0x1  }
0xc: {  	s14 =	ssub.s32 s5, s12;
	s9 =	sshrl.u32 s9, $0x3;
	s7 =	sadd.s32 s7, s13  }
0xd: {  	s13 =	smax.u32 s14, $0x1;
	s14 =	simm.s32 $0x80;
	s5 =	sadd.s32 s10, s9  }
0xe: {  	s6 =	sadd.s32 s11, s9;
	s31 =	sadd.s32 $0x2800, s9;
	s9 =	sadd.s32 $0x10, s2  }
0xf: {  	v0 =	vlaneseq.u32;
	s12 =	sadd.s32 $0x50000, s7;
	s10 =	sadd.s32 s10, s31;
	s11 =	sadd.s32 s11, s31  }
.LBB2_1:
0x10: {  	[tilespmem:s3], [sflag:$0x1] =	stream.strided.gather [hbm4b:s4+s14], $0x8000, s15, s14, $0x38;
	[tilespmem:$0x1D700] =	vst v63  }
0x11: {  	_ =	swait.ge [sflag:s16], $0x8000  }
0x12: {  	[sflag:s16] =	ssyncset.done $0x0  }
0x13: {  	[sflag:s16] =	ssyncadd.s32 $0xFFFF8000  }
0x14: {  	[tilespmem:s17], [sflag:$0x1] =	stream.strided.gather [hbm4b:s2+s14], $0x300, s15, s14, $0x38;
	[tilespmem:$0x1D700] =	vst v63  }
0x15: {  	_ =	swait.ge [sflag:s16], $0x300  }
0x16: {  	[sflag:s16] =	ssyncset.done $0x0  }
0x17: {  	[sflag:s16] =	ssyncadd.s32 $0xFFFFFD00  }
0x18: {  	[tilespmem:s18], [sflag:$0x1] =	stream.linear.gather [hbm4b:s5+s3], $0xA00, $0x38;
	[tilespmem:$0x1D700] =	vst v63  }
0x19: {  	_ =	swait.ge [sflag:s16], $0xA00  }
0x1a: {  	[sflag:s16] =	ssyncset.done $0x0  }
0x1b: {  	[sflag:s16] =	ssyncadd.s32 $0xFFFFF600  }
0x1c: {  	[tilespmem:s19], [sflag:$0x1] =	stream.linear.gather [hbm4b:s6+s3], $0xA00, $0x38;
	[tilespmem:$0x1D700] =	vst v63  }
0x1d: {  	_ =	swait.ge [sflag:s16], $0xA00  }
0x1e: {  	[sflag:s16] =	ssyncset.done $0x0  }
0x1f: {  	s24 =	simm.s32 $0x0;
	[sflag:s16] =	ssyncadd.s32 $0xFFFFF600  }
.LBB2_2:
0x20: {  	s25 =	sshll.u32 s24, $0x4;
	s26 =	sshll.u32 s24, $0x6  }
0x21: {  	s28 =	sand.u32 $0x70, s25;
	s26 =	sand.u32 $0xE00, s26  }
0x22: {  	s26 =	sor.u32 s28, s26  }
0x23: {  	v4 =	vld [tilespmem:s26+$0x8D00]  }
0x24: {  	v6 =	vld [tilespmem:s26+$0x8D80]  }
0x25: {  	v7 =	vld [tilespmem:s26+$0x8E00];
	_ =	sdelay $0x2  }
0x26: {  	v2 =	vld [tilespmem:s26+$0x8300]  }
0x27: {  	v5 =	vld [tilespmem:s26+$0x8380];
	v1 =	vadd.s32 $0x100, v4  }
0x28: {  	v8 =	vld [tilespmem:s26+$0x8400];
	v3 =	vadd.s32 $0x200, v4  }
0x29: {  	v9 =	vadd.s32 $0x100, v6;
	v10 =	vld.idx.msk [tilespmem:v4+s17+$0x0], $0xffff  }
0x2a: {  	v11 =	vadd.s32 $0x200, v6;
	v13 =	vld.idx.msk [tilespmem:v6+s17+$0x0], $0xffff  }
0x2b: {  	v12 =	vadd.s32 $0x100, v7;
	v15 =	vld.idx.msk [tilespmem:v7+s17+$0x0], $0xffff  }
0x2c: {  	v1 =	vld.idx.msk [tilespmem:v1+s17+$0x0], $0xffff  }
0x2d: {  	v14 =	vadd.s32 $0x200, v7;
	v3 =	vld.idx.msk [tilespmem:v3+s17+$0x0], $0xffff  }
0x2e: {  	v9 =	vld.idx.msk [tilespmem:v9+s17+$0x0], $0xffff  }
0x2f: {  	v11 =	vld.idx.msk [tilespmem:v11+s17+$0x0], $0xffff  }
0x30: {  	v12 =	vld.idx.msk [tilespmem:v12+s17+$0x0], $0xffff  }
0x31: {  	v10 =	vsub.f32 v2, v10  }
0x32: {  	v14 =	vld.idx.msk [tilespmem:v14+s17+$0x0], $0xffff;
	v13 =	vsub.f32 v2, v13;
	v1 =	vsub.f32 v5, v1  }
0x33: {  	v2 =	vsub.f32 v2, v15;
	v3 =	vsub.f32 v8, v3  }
0x34: {  	v10 =	vmul.f32 v10, v10;
	v9 =	vsub.f32 v5, v9;
	v1 =	vmul.f32 v1, v1  }
0x35: {  	v11 =	vsub.f32 v8, v11;
	v5 =	vsub.f32 v5, v12;
	v3 =	vmul.f32 v3, v3  }
0x36: {  	v9 =	vmul.f32 v9, v9;
	v1 =	vadd.f32 v1, v10;
	v10 =	vmul.f32 v13, v13  }
0x37: {  	v2 =	vmul.f32 v2, v2;
	v8 =	vsub.f32 v8, v14;
	v5 =	vmul.f32 v5, v5  }
0x38: {  	v1 =	vadd.f32 v3, v1;
	v3 =	vadd.f32 v9, v10;
	v9 =	vmul.f32 v11, v11  }
0x39: {  	v2 =	vadd.f32 v5, v2;
	v5 =	vmul.f32 v8, v8  }
0x3a: {  	v3 =	vadd.f32 v9, v3  }
0x3b: {  	v2 =	vadd.f32 v5, v2;
	v10 =	vshrl.u32 v1, $0x1;
	v9 =	vmul.f32 $5.000000000e-01, v1  }
0x3c: {  	v8 =	vsub.s32 $0x5F3759DF, v10;
	v10 =	vshrl.u32 v3, $0x1;
	v11 =	vmul.f32 $5.000000000e-01, v3  }
0x3d: {  	v5 =	vmul.f32 v8, v9;
	v10 =	vsub.s32 $0x5F3759DF, v10  }
0x3e: {  	v13 =	vshrl.u32 v2, $0x1;
	v14 =	vmul.f32 $5.000000000e-01, v2;
	v12 =	vmul.f32 v10, v11  }
0x3f: {  	v13 =	vsub.s32 $0x5F3759DF, v13;
	v5 =	vmul.f32 v8, v5  }
0x40: {  	v15 =	vmul.f32 v13, v14;
	v12 =	vmul.f32 v10, v12  }
0x41: {  	v5 =	vsub.f32 $1.500000000e+00, v5  }
0x42: {  	v15 =	vmul.f32 v13, v15;
	v12 =	vsub.f32 $1.500000000e+00, v12  }
0x43: {  	v5 =	vmul.f32 v8, v5  }
0x44: {  	v8 =	vmul.f32 v10, v12;
	v10 =	vsub.f32 $1.500000000e+00, v15  }
0x45: {  	v12 =	vmul.f32 v5, v9  }
0x46: {  	v15 =	vmul.f32 v8, v11;
	v10 =	vmul.f32 v13, v10  }
0x47: {  	v12 =	vmul.f32 v12, v5  }
0x48: {  	v13 =	vmul.f32 v15, v8;
	v15 =	vmul.f32 v10, v14  }
0x49: {  	v12 =	vsub.f32 $1.500000000e+00, v12  }
0x4a: {  	v13 =	vsub.f32 $1.500000000e+00, v13;
	v15 =	vmul.f32 v15, v10  }
0x4b: {  	v5 =	vmul.f32 v12, v5  }
0x4c: {  	v8 =	vmul.f32 v13, v8;
	v12 =	vsub.f32 $1.500000000e+00, v15  }
0x4d: {  	v9 =	vmul.f32 v5, v9  }
0x4e: {  	v11 =	vmul.f32 v8, v11;
	v10 =	vmul.f32 v12, v10  }
0x4f: {  	v9 =	vmul.f32 v9, v5  }
0x50: {  	v11 =	vmul.f32 v11, v8;
	v12 =	vmul.f32 v10, v14  }
0x51: {  	v9 =	vsub.f32 $1.500000000e+00, v9  }
0x52: {  	v11 =	vsub.f32 $1.500000000e+00, v11;
	v12 =	vmul.f32 v12, v10  }
0x53: {  	v5 =	vmul.f32 v9, v5  }
0x54: {  	v8 =	vmul.f32 v11, v8;
	v9 =	vsub.f32 $1.500000000e+00, v12  }
0x55: {  	v1 =	vmul.f32 v5, v1  }
0x56: {  	v3 =	vmul.f32 v8, v3;
	v5 =	vmul.f32 v9, v10;
	_ =	sdelay $0x1  }
0x57: {  	v2 =	vmul.f32 v5, v2;
	v5 =	vadd.f32 v3, v1;
	_ =	sdelay $0x1  }
0x58: {  	v5 =	vadd.f32 v2, v5;
	_ =	sdelay $0x1  }
0x59: {  	(erf) = vrcp.f32 v5;
	_ =	sdelay $0x6  }
0x5a: {  	s30 =	simm.s32 $0x2  }
0x5b: {  	s29 =	simm.s32 $0x1;
	s31 =	simm.s32 $0x0;
	v16 =	vmov s30  }
0x5c: {  	v21 =	vmov s29;
	v28 =	vmov s31;
	v19 =	vshrl.u32 v16, $0x3;
	v5 =	vpop (erf)  }
0x5d: {  	s28 =	simm.s32 $0x3;
	v6 =	vshll.u32 v6, $0x7;
	v7 =	vshll.u32 v7, $0x7;
	v1 =	vmul.f32 v5, v1  }
0x5e: {  	v20 =	vor.u32 s28, v6;
	v3 =	vmul.f32 v5, v3;
	v5 =	vmul.f32 v5, v2  }
0x5f: {  	v23 =	vshrl.u32 v21, $0x3;
	v13 =	vor.u32 s30, v7;
	v11 =	vor.u32 s29, v6  }
0x60: {  	v2 =	vsub.f32 $1.000000000e+00, v1;
	v1 =	vsub.f32 $1.000000000e+00, v5;
	v5 =	vshll.u32 v4, $0x7  }
0x61: {  	v16 =	vshll.u32 v16, $0x7;
	v19 =	vmul.u32 $0x1400, v19;
	v10 =	vor.u32 s29, v5  }
0x62: {  	v16 =	vand.u32 $0x300, v16;
	v4 =	vmov s25;
	v18 =	vor.u32 s30, v5  }
0x63: {  	v20 =	vld.idx.msk [tilespmem:v20+s3+$0x0], $0xffff;
	v15 =	vor.u32 s28, v7;
	v8 =	vor.u32 s25, v0;
	v9 =	vshll.u32 v4, $0x3  }
0x64: {  	v13 =	vld.idx.msk [tilespmem:v13+s3+$0x0], $0xffff;
	v4 =	vand.u32 $0x7F, v8;
	v8 =	vand.u32 $0x1C00, v9;
	v9 =	vor.u32 s30, v6  }
0x65: {  	v23 =	vmul.u32 $0x1400, v23;
	v17 =	vor.u32 s29, v7;
	v11 =	vld.idx.msk [tilespmem:v11+s3+$0x0], $0xffff;
	v12 =	vor.u32 s28, v5  }
0x66: {  	v14 =	vmov s28;
	v24 =	vor.u32 s31, v5;
	v19 =	vadd.s32 v8, v19;
	v10 =	vld.idx.msk [tilespmem:v10+s3+$0x0], $0xffff  }
0x67: {  	v19 =	vor.u32 v16, v19;
	v16 =	vshll.u32 v21, $0x7;
	v21 =	vadd.s32 v8, v23;
	v23 =	vld.idx.msk [tilespmem:v18+s3+$0x0], $0xffff  }
0x68: {  	v25 =	vor.u32 s31, v6;
	v22 =	vshrl.u32 v14, $0x3;
	v27 =	vld.idx.msk [tilespmem:v15+s3+$0x0], $0xffff;
	v3 =	vsub.f32 $1.000000000e+00, v3  }
0x69: {  	v16 =	vand.u32 $0x280, v16;
	v18 =	vmul.u32 $0x1400, v22;
	v22 =	vor.u32 s31, v7;
	v9 =	vld.idx.msk [tilespmem:v9+s3+$0x0], $0xffff  }
0x6a: {  	v15 =	vor.u32 v16, v21;
	v16 =	vld.idx.msk [tilespmem:v12+s3+$0x0], $0xffff;
	v12 =	vmul.f32 v11, v3;
	v11 =	vor.u32 v4, v19  }
0x6b: {  	v26 =	vmul.f32 v10, v2;
	v10 =	vshll.u32 v14, $0x7;
	v14 =	vld.idx.msk [tilespmem:v17+s3+$0x0], $0xffff;
	v17 =	vadd.s32 v8, v18  }
0x6c: {  	v19 =	vld.idx.msk [tilespmem:v24+s3+$0x0], $0xffff;
	v63 =	vmul.f32 v23, v2;
	v18 =	vand.u32 $0x380, v10;
	v10 =	vmul.f32 v13, v1  }
0x6d: {  	v13 =	vor.u32 v18, v17;
	v18 =	vor.u32 v4, v15;
	v15 =	vmul.f32 v20, v3;
	v20 =	vld.idx.msk [tilespmem:v25+s3+$0x0], $0xffff  }
0x6e: {  	v29 =	vmul.f32 v9, v3;
	v9 =	vor.u32 v4, v13;
	v13 =	vshll.u32 v28, $0x7  }
0x6f: {  	v21 =	vadd.f32 v12, v26;
	v12 =	vld.idx.msk [tilespmem:v22+s3+$0x0], $0xffff;
	v22 =	vshrl.u32 v28, $0x3;
	v17 =	vand.u32 $0x200, v13  }
0x70: {  	s28 =	simm.s32 $0x4;
	v13 =	vmul.f32 v27, v1;
	v23 =	vmul.f32 v14, v1;
	v14 =	vadd.f32 v29, v63  }
.LBB2_3:
0x71: {  	s29 =	sadd.s32 $0x1, s28  }
0x72: {  	s30 =	sadd.s32 $0x2, s28;
	v19 =	vmul.f32 v19, v2;
	v20 =	vmul.f32 v20, v3;
	v21 =	vadd.f32 v23, v21;
	s26 =	smov.u32 s28;
	s25 =	sadd.s32 $0x4, s28  }
0x73: {  	p0 =	slt.u32 s28, $0x7C;
	v16 =	vmul.f32 v16, v2;
	v23 =	vor.u32 s29, v5;
	v24 =	vor.u32 s29, v6;
	s31 =	sadd.s32 $0x3, s26  }
0x74: {  	v22 =	vmul.u32 $0x1400, v22;
	v25 =	vor.u32 s30, v6;
	v26 =	vor.u32 s31, v5;
	[tilespmem:v18+s20+$0x0] =	vst.idx.msk $0xffff, v21  }
0x75: {  	v18 =	vor.u32 s30, v7;
	v21 =	vmov s31;
	v27 =	vor.u32 s31, v7  }
0x76: {  	v28 =	vor.u32 s29, v7;
	v29 =	vor.u32 s31, v6;
	v30 =	vshrl.u32 v21, $0x3  }
0x77: {  	v31 =	vor.u32 s26, v5;
	v32 =	vor.u32 s26, v6;
	v33 =	vmov s30  }
0x78: {  	v34 =	vor.u32 s30, v5;
	v35 =	vshrl.u32 v33, $0x3;
	v22 =	vadd.s32 v8, v22;
	v23 =	vld.idx.msk [tilespmem:v23+s3+$0x0], $0xffff  }
0x79: {  	v36 =	vmov s29;
	v15 =	vadd.f32 v15, v16;
	v35 =	vmul.u32 $0x1400, v35;
	v25 =	vld.idx.msk [tilespmem:v25+s3+$0x0], $0xffff  }
0x7a: {  	v16 =	vshrl.u32 v36, $0x3;
	v33 =	vshll.u32 v33, $0x7;
	v17 =	vor.u32 v17, v22;
	v18 =	vld.idx.msk [tilespmem:v18+s3+$0x0], $0xffff  }
0x7b: {  	v19 =	vadd.f32 v20, v19;
	v33 =	vand.u32 $0x300, v33;
	v22 =	vadd.s32 v8, v35;
	v27 =	vld.idx.msk [tilespmem:v27+s3+$0x0], $0xffff  }
0x7c: {  	v12 =	vmul.f32 v12, v1;
	v16 =	vmul.u32 $0x1400, v16;
	v22 =	vor.u32 v33, v22;
	v28 =	vld.idx.msk [tilespmem:v28+s3+$0x0], $0xffff  }
0x7d: {  	v10 =	vadd.f32 v10, v14;
	v20 =	vshll.u32 v36, $0x7;
	v17 =	vor.u32 v4, v17;
	v24 =	vld.idx.msk [tilespmem:v24+s3+$0x0], $0xffff  }
0x7e: {  	v12 =	vadd.f32 v12, v19;
	v13 =	vadd.f32 v13, v15;
	v14 =	vadd.s32 v8, v16;
	v33 =	vld.idx.msk [tilespmem:v34+s3+$0x0], $0xffff  }
0x7f: {  	v15 =	vor.u32 s26, v7;
	v30 =	vmul.u32 $0x1400, v30;
	v23 =	vmul.f32 v23, v2;
	v29 =	vld.idx.msk [tilespmem:v29+s3+$0x0], $0xffff;
	[tilespmem:v11+s20+$0x0] =	vst.idx.msk $0xffff, v10  }
0x80: {  	v10 =	vand.u32 $0x280, v20;
	v11 =	vshll.u32 v21, $0x7;
	v16 =	vld.idx.msk [tilespmem:v26+s3+$0x0], $0xffff;
	[tilespmem:v9+s20+$0x0] =	vst.idx.msk $0xffff, v13  }
0x81: {  	v13 =	vor.u32 v10, v14;
	v9 =	vadd.s32 v8, v30;
	v11 =	vand.u32 $0x380, v11;
	v19 =	vld.idx.msk [tilespmem:v31+s3+$0x0], $0xffff  }
0x82: {  	v10 =	vmul.f32 v18, v1;
	v9 =	vor.u32 v11, v9;
	v20 =	vld.idx.msk [tilespmem:v32+s3+$0x0], $0xffff;
	[tilespmem:v17+s20+$0x0] =	vst.idx.msk $0xffff, v12  }
.Ltmp0:
0x83: {  	v25 =	vmul.f32 v25, v3;
	v14 =	vmov s26;
	v9 =	vor.u32 v4, v9;
	(pc) =	sbr.rel @p0 .LBB2_3-.Ltmp0, $4  }
0x84: {  	v18 =	vor.u32 v4, v13;
	v11 =	vor.u32 v4, v22;
	v21 =	vmul.f32 v24, v3;
	v12 =	vld.idx.msk [tilespmem:v15+s3+$0x0], $0xffff  }
0x85: {  	v13 =	vshll.u32 v14, $0x7;
	v24 =	vmul.f32 v33, v2;
	v15 =	vmul.f32 v29, v3  }
0x86: {  	v17 =	vand.u32 $0x200, v13;
	v21 =	vadd.f32 v21, v23;
	v23 =	vmul.f32 v28, v1  }
0x87: {  	s28 =	smov.u32 s25;
	v22 =	vshrl.u32 v14, $0x3;
	v13 =	vmul.f32 v27, v1;
	v14 =	vadd.f32 v25, v24  }
0x88: {  	v5 =	vmul.u32 $0x1400, v22;
	_ =	sdelay $0x1  }
0x89: {  	v6 =	vmul.f32 v16, v2;
	v5 =	vadd.s32 v8, v5  }
0x8a: {  	v2 =	vmul.f32 v19, v2;
	v3 =	vmul.f32 v20, v3;
	s24 =	sadd.s32 $0x1, s24;
	v5 =	vor.u32 v17, v5  }
0x8b: {  	v7 =	vadd.f32 v23, v21;
	p0 =	sne.s32 s24, $0x28;
	v6 =	vadd.f32 v15, v6;
	v4 =	vor.u32 v4, v5  }
.Ltmp1:
0x8c: {  	v1 =	vmul.f32 v12, v1;
	v2 =	vadd.f32 v3, v2;
	v3 =	vadd.f32 v10, v14;
	(pc) =	sbr.rel @p0 .LBB2_2-.Ltmp1, $4  }
0x8d: {  	[tilespmem:v18+s20+$0x0] =	vst.idx.msk $0xffff, v7;
	v63 =	vadd.f32 v13, v6  }
0x8e: {  	v1 =	vadd.f32 v1, v2;
	[tilespmem:v11+s20+$0x0] =	vst.idx.msk $0xffff, v3  }
0x8f: {  	[tilespmem:v9+s20+$0x0] =	vst.idx.msk $0xffff, v63  }
0x90: {  	[tilespmem:v4+s20+$0x0] =	vst.idx.msk $0xffff, v1  }
0x91: {  	[hbm4b:s7+s21] =	stream.strided.scatter [tilespmem:s20], [sflag:$0x1], $0x14000, s22, s21, $0x38;
	[tilespmem:$0x1D700] =	vst v63  }
0x92: {  	_ =	swait.ge [sflag:s16], $0x14000  }
0x93: {  	[sflag:s16] =	ssyncset.done $0x0  }
0x94: {  	s24 =	simm.s32 $0x0;
	[sflag:s16] =	ssyncadd.s32 $0xFFFEC000  }
0x95: {  	[tilespmem:s24], [sflag:$0x1] =	stream.strided.gather [hbm4b:s8+s14], $0x8000, s15, s14, $0x38;
	[tilespmem:$0x1D700] =	vst v63  }
0x96: {  	_ =	swait.ge [sflag:s16], $0x8000  }
0x97: {  	[sflag:s16] =	ssyncset.done $0x0  }
0x98: {  	[sflag:s16] =	ssyncadd.s32 $0xFFFF8000  }
0x99: {  	[tilespmem:s17], [sflag:$0x1] =	stream.strided.gather [hbm4b:s9+s14], $0x300, s15, s14, $0x38;
	[tilespmem:$0x1D700] =	vst v63  }
0x9a: {  	_ =	swait.ge [sflag:s16], $0x300  }
0x9b: {  	[sflag:s16] =	ssyncset.done $0x0  }
0x9c: {  	[sflag:s16] =	ssyncadd.s32 $0xFFFFFD00  }
0x9d: {  	[tilespmem:s18], [sflag:$0x1] =	stream.linear.gather [hbm4b:s10+s24], $0xA00, $0x38;
	[tilespmem:$0x1D700] =	vst v63  }
0x9e: {  	_ =	swait.ge [sflag:s16], $0xA00  }
0x9f: {  	[sflag:s16] =	ssyncset.done $0x0  }
0xa0: {  	[sflag:s16] =	ssyncadd.s32 $0xFFFFF600  }
0xa1: {  	[tilespmem:s19], [sflag:$0x1] =	stream.linear.gather [hbm4b:s11+s24], $0xA00, $0x38;
	[tilespmem:$0x1D700] =	vst v63  }
0xa2: {  	_ =	swait.ge [sflag:s16], $0xA00  }
0xa3: {  	[sflag:s16] =	ssyncset.done $0x0  }
0xa4: {  	s25 =	simm.s32 $0x0;
	[sflag:s16] =	ssyncadd.s32 $0xFFFFF600  }
.LBB2_6:
0xa5: {  	s26 =	sshll.u32 s25, $0x4;
	s28 =	sshll.u32 s25, $0x6  }
0xa6: {  	s29 =	sand.u32 $0x70, s26;
	s28 =	sand.u32 $0xE00, s28  }
0xa7: {  	s28 =	sor.u32 s29, s28  }
0xa8: {  	v4 =	vld [tilespmem:s28+$0x8D00]  }
0xa9: {  	v6 =	vld [tilespmem:s28+$0x8D80]  }
0xaa: {  	v7 =	vld [tilespmem:s28+$0x8E00];
	_ =	sdelay $0x2  }
0xab: {  	v2 =	vld [tilespmem:s28+$0x8300]  }
0xac: {  	v5 =	vld [tilespmem:s28+$0x8380];
	v1 =	vadd.s32 $0x100, v4  }
0xad: {  	v8 =	vld [tilespmem:s28+$0x8400];
	v3 =	vadd.s32 $0x200, v4  }
0xae: {  	v9 =	vadd.s32 $0x100, v6;
	v10 =	vld.idx.msk [tilespmem:v4+s17+$0x0], $0xffff  }
0xaf: {  	v11 =	vadd.s32 $0x200, v6;
	v13 =	vld.idx.msk [tilespmem:v6+s17+$0x0], $0xffff  }
0xb0: {  	v12 =	vadd.s32 $0x100, v7;
	v15 =	vld.idx.msk [tilespmem:v7+s17+$0x0], $0xffff  }
0xb1: {  	v1 =	vld.idx.msk [tilespmem:v1+s17+$0x0], $0xffff  }
0xb2: {  	v14 =	vadd.s32 $0x200, v7;
	v3 =	vld.idx.msk [tilespmem:v3+s17+$0x0], $0xffff  }
0xb3: {  	v9 =	vld.idx.msk [tilespmem:v9+s17+$0x0], $0xffff  }
0xb4: {  	v11 =	vld.idx.msk [tilespmem:v11+s17+$0x0], $0xffff  }
0xb5: {  	v12 =	vld.idx.msk [tilespmem:v12+s17+$0x0], $0xffff  }
0xb6: {  	v10 =	vsub.f32 v2, v10  }
0xb7: {  	v14 =	vld.idx.msk [tilespmem:v14+s17+$0x0], $0xffff;
	v13 =	vsub.f32 v2, v13;
	v1 =	vsub.f32 v5, v1  }
0xb8: {  	v2 =	vsub.f32 v2, v15;
	v3 =	vsub.f32 v8, v3  }
0xb9: {  	v10 =	vmul.f32 v10, v10;
	v9 =	vsub.f32 v5, v9;
	v1 =	vmul.f32 v1, v1  }
0xba: {  	v11 =	vsub.f32 v8, v11;
	v5 =	vsub.f32 v5, v12;
	v3 =	vmul.f32 v3, v3  }
0xbb: {  	v9 =	vmul.f32 v9, v9;
	v1 =	vadd.f32 v1, v10;
	v10 =	vmul.f32 v13, v13  }
0xbc: {  	v2 =	vmul.f32 v2, v2;
	v8 =	vsub.f32 v8, v14;
	v5 =	vmul.f32 v5, v5  }
0xbd: {  	v1 =	vadd.f32 v3, v1;
	v3 =	vadd.f32 v9, v10;
	v9 =	vmul.f32 v11, v11  }
0xbe: {  	v2 =	vadd.f32 v5, v2;
	v5 =	vmul.f32 v8, v8  }
0xbf: {  	v3 =	vadd.f32 v9, v3  }
0xc0: {  	v2 =	vadd.f32 v5, v2;
	v10 =	vshrl.u32 v1, $0x1;
	v9 =	vmul.f32 $5.000000000e-01, v1  }
0xc1: {  	v8 =	vsub.s32 $0x5F3759DF, v10;
	v10 =	vshrl.u32 v3, $0x1;
	v11 =	vmul.f32 $5.000000000e-01, v3  }
0xc2: {  	v5 =	vmul.f32 v8, v9;
	v10 =	vsub.s32 $0x5F3759DF, v10  }
0xc3: {  	v13 =	vshrl.u32 v2, $0x1;
	v14 =	vmul.f32 $5.000000000e-01, v2;
	v12 =	vmul.f32 v10, v11  }
0xc4: {  	v13 =	vsub.s32 $0x5F3759DF, v13;
	v5 =	vmul.f32 v8, v5  }
0xc5: {  	v15 =	vmul.f32 v13, v14;
	v12 =	vmul.f32 v10, v12  }
0xc6: {  	v5 =	vsub.f32 $1.500000000e+00, v5  }
0xc7: {  	v15 =	vmul.f32 v13, v15;
	v12 =	vsub.f32 $1.500000000e+00, v12  }
0xc8: {  	v5 =	vmul.f32 v8, v5  }
0xc9: {  	v8 =	vmul.f32 v10, v12;
	v10 =	vsub.f32 $1.500000000e+00, v15  }
0xca: {  	v12 =	vmul.f32 v5, v9  }
0xcb: {  	v15 =	vmul.f32 v8, v11;
	v10 =	vmul.f32 v13, v10  }
0xcc: {  	v12 =	vmul.f32 v12, v5  }
0xcd: {  	v13 =	vmul.f32 v15, v8;
	v15 =	vmul.f32 v10, v14  }
0xce: {  	v12 =	vsub.f32 $1.500000000e+00, v12  }
0xcf: {  	v13 =	vsub.f32 $1.500000000e+00, v13;
	v15 =	vmul.f32 v15, v10  }
0xd0: {  	v5 =	vmul.f32 v12, v5  }
0xd1: {  	v8 =	vmul.f32 v13, v8;
	v12 =	vsub.f32 $1.500000000e+00, v15  }
0xd2: {  	v9 =	vmul.f32 v5, v9  }
0xd3: {  	v11 =	vmul.f32 v8, v11;
	v10 =	vmul.f32 v12, v10  }
0xd4: {  	v9 =	vmul.f32 v9, v5  }
0xd5: {  	v11 =	vmul.f32 v11, v8;
	v12 =	vmul.f32 v10, v14  }
0xd6: {  	v9 =	vsub.f32 $1.500000000e+00, v9  }
0xd7: {  	v11 =	vsub.f32 $1.500000000e+00, v11;
	v12 =	vmul.f32 v12, v10  }
0xd8: {  	v5 =	vmul.f32 v9, v5  }
0xd9: {  	v8 =	vmul.f32 v11, v8;
	v9 =	vsub.f32 $1.500000000e+00, v12  }
0xda: {  	v1 =	vmul.f32 v5, v1  }
0xdb: {  	v3 =	vmul.f32 v8, v3;
	v5 =	vmul.f32 v9, v10;
	_ =	sdelay $0x1  }
0xdc: {  	v2 =	vmul.f32 v5, v2;
	v5 =	vadd.f32 v3, v1;
	_ =	sdelay $0x1  }
0xdd: {  	v5 =	vadd.f32 v2, v5;
	_ =	sdelay $0x1  }
0xde: {  	(erf) = vrcp.f32 v5;
	_ =	sdelay $0x6  }
0xdf: {  	s31 =	simm.s32 $0x2  }
0xe0: {  	s30 =	simm.s32 $0x1;
	v16 =	vmov s31  }
0xe1: {  	v28 =	vmov s24;
	v21 =	vmov s30;
	v19 =	vshrl.u32 v16, $0x3;
	v5 =	vpop (erf)  }
0xe2: {  	s29 =	simm.s32 $0x3;
	v6 =	vshll.u32 v6, $0x7;
	v7 =	vshll.u32 v7, $0x7;
	v1 =	vmul.f32 v5, v1  }
0xe3: {  	v20 =	vor.u32 s29, v6;
	v3 =	vmul.f32 v5, v3;
	v5 =	vmul.f32 v5, v2  }
0xe4: {  	v23 =	vshrl.u32 v21, $0x3;
	v13 =	vor.u32 s31, v7;
	v11 =	vor.u32 s30, v6  }
0xe5: {  	v2 =	vsub.f32 $1.000000000e+00, v1;
	v1 =	vsub.f32 $1.000000000e+00, v5;
	v5 =	vshll.u32 v4, $0x7  }
0xe6: {  	v16 =	vshll.u32 v16, $0x7;
	v19 =	vmul.u32 $0x1400, v19;
	v10 =	vor.u32 s30, v5  }
0xe7: {  	v16 =	vand.u32 $0x300, v16;
	v4 =	vmov s26;
	v18 =	vor.u32 s31, v5  }
0xe8: {  	v20 =	vld.idx.msk [tilespmem:v20+s3+$0x0], $0xffff;
	v15 =	vor.u32 s29, v7;
	v8 =	vor.u32 s26, v0;
	v9 =	vshll.u32 v4, $0x3  }
0xe9: {  	v13 =	vld.idx.msk [tilespmem:v13+s3+$0x0], $0xffff;
	v4 =	vand.u32 $0x7F, v8;
	v8 =	vand.u32 $0x1C00, v9;
	v9 =	vor.u32 s31, v6  }
0xea: {  	v23 =	vmul.u32 $0x1400, v23;
	v17 =	vor.u32 s30, v7;
	v11 =	vld.idx.msk [tilespmem:v11+s3+$0x0], $0xffff;
	v12 =	vor.u32 s29, v5  }
0xeb: {  	v14 =	vmov s29;
	v24 =	vor.u32 s24, v5;
	v19 =	vadd.s32 v8, v19;
	v10 =	vld.idx.msk [tilespmem:v10+s3+$0x0], $0xffff  }
0xec: {  	v19 =	vor.u32 v16, v19;
	v16 =	vshll.u32 v21, $0x7;
	v21 =	vadd.s32 v8, v23;
	v23 =	vld.idx.msk [tilespmem:v18+s3+$0x0], $0xffff  }
0xed: {  	v25 =	vor.u32 s24, v6;
	v22 =	vshrl.u32 v14, $0x3;
	v27 =	vld.idx.msk [tilespmem:v15+s3+$0x0], $0xffff;
	v3 =	vsub.f32 $1.000000000e+00, v3  }
0xee: {  	v16 =	vand.u32 $0x280, v16;
	v18 =	vmul.u32 $0x1400, v22;
	v22 =	vor.u32 s24, v7;
	v9 =	vld.idx.msk [tilespmem:v9+s3+$0x0], $0xffff  }
0xef: {  	v15 =	vor.u32 v16, v21;
	v16 =	vld.idx.msk [tilespmem:v12+s3+$0x0], $0xffff;
	v12 =	vmul.f32 v11, v3;
	v11 =	vor.u32 v4, v19  }
0xf0: {  	v26 =	vmul.f32 v10, v2;
	v10 =	vshll.u32 v14, $0x7;
	v14 =	vld.idx.msk [tilespmem:v17+s3+$0x0], $0xffff;
	v17 =	vadd.s32 v8, v18  }
0xf1: {  	v19 =	vld.idx.msk [tilespmem:v24+s3+$0x0], $0xffff;
	v63 =	vmul.f32 v23, v2;
	v18 =	vand.u32 $0x380, v10;
	v10 =	vmul.f32 v13, v1  }
0xf2: {  	v13 =	vor.u32 v18, v17;
	v18 =	vor.u32 v4, v15;
	v15 =	vmul.f32 v20, v3;
	v20 =	vld.idx.msk [tilespmem:v25+s3+$0x0], $0xffff  }
0xf3: {  	v29 =	vmul.f32 v9, v3;
	v9 =	vor.u32 v4, v13;
	v13 =	vshll.u32 v28, $0x7  }
0xf4: {  	v21 =	vadd.f32 v12, v26;
	v12 =	vld.idx.msk [tilespmem:v22+s3+$0x0], $0xffff;
	v22 =	vshrl.u32 v28, $0x3;
	v17 =	vand.u32 $0x200, v13  }
0xf5: {  	s29 =	simm.s32 $0x4;
	v13 =	vmul.f32 v27, v1;
	v23 =	vmul.f32 v14, v1;
	v14 =	vadd.f32 v29, v63  }
.LBB2_7:
0xf6: {  	s30 =	sadd.s32 $0x1, s29  }
0xf7: {  	s31 =	sadd.s32 $0x2, s29;
	v19 =	vmul.f32 v19, v2;
	v20 =	vmul.f32 v20, v3;
	v21 =	vadd.f32 v23, v21;
	s28 =	smov.u32 s29;
	s26 =	sadd.s32 $0x4, s29  }
0xf8: {  	p0 =	slt.u32 s29, $0x7C;
	v16 =	vmul.f32 v16, v2;
	v23 =	vor.u32 s30, v5;
	v24 =	vor.u32 s30, v6;
	s0 =	sadd.s32 $0x3, s28  }
0xf9: {  	v22 =	vmul.u32 $0x1400, v22;
	v25 =	vor.u32 s31, v6;
	v26 =	vor.u32 s0, v5;
	[tilespmem:v18+s20+$0x0] =	vst.idx.msk $0xffff, v21  }
0xfa: {  	v18 =	vor.u32 s31, v7;
	v21 =	vmov s0;
	v27 =	vor.u32 s0, v7  }
0xfb: {  	v28 =	vor.u32 s30, v7;
	v29 =	vor.u32 s0, v6;
	v30 =	vshrl.u32 v21, $0x3  }
0xfc: {  	v31 =	vor.u32 s28, v5;
	v32 =	vor.u32 s28, v6;
	v33 =	vmov s31  }
0xfd: {  	v34 =	vor.u32 s31, v5;
	v35 =	vshrl.u32 v33, $0x3;
	v22 =	vadd.s32 v8, v22;
	v23 =	vld.idx.msk [tilespmem:v23+s3+$0x0], $0xffff  }
0xfe: {  	v36 =	vmov s30;
	v15 =	vadd.f32 v15, v16;
	v35 =	vmul.u32 $0x1400, v35;
	v25 =	vld.idx.msk [tilespmem:v25+s3+$0x0], $0xffff  }
0xff: {  	v16 =	vshrl.u32 v36, $0x3;
	v33 =	vshll.u32 v33, $0x7;
	v17 =	vor.u32 v17, v22;
	v18 =	vld.idx.msk [tilespmem:v18+s3+$0x0], $0xffff  }
0x100: {  	v19 =	vadd.f32 v20, v19;
	v33 =	vand.u32 $0x300, v33;
	v22 =	vadd.s32 v8, v35;
	v27 =	vld.idx.msk [tilespmem:v27+s3+$0x0], $0xffff  }
0x101: {  	v12 =	vmul.f32 v12, v1;
	v16 =	vmul.u32 $0x1400, v16;
	v22 =	vor.u32 v33, v22;
	v28 =	vld.idx.msk [tilespmem:v28+s3+$0x0], $0xffff  }
0x102: {  	v10 =	vadd.f32 v10, v14;
	v20 =	vshll.u32 v36, $0x7;
	v17 =	vor.u32 v4, v17;
	v24 =	vld.idx.msk [tilespmem:v24+s3+$0x0], $0xffff  }
0x103: {  	v12 =	vadd.f32 v12, v19;
	v13 =	vadd.f32 v13, v15;
	v14 =	vadd.s32 v8, v16;
	v33 =	vld.idx.msk [tilespmem:v34+s3+$0x0], $0xffff  }
0x104: {  	v15 =	vor.u32 s28, v7;
	v30 =	vmul.u32 $0x1400, v30;
	v23 =	vmul.f32 v23, v2;
	v29 =	vld.idx.msk [tilespmem:v29+s3+$0x0], $0xffff;
	[tilespmem:v11+s20+$0x0] =	vst.idx.msk $0xffff, v10  }
0x105: {  	v10 =	vand.u32 $0x280, v20;
	v11 =	vshll.u32 v21, $0x7;
	v16 =	vld.idx.msk [tilespmem:v26+s3+$0x0], $0xffff;
	[tilespmem:v9+s20+$0x0] =	vst.idx.msk $0xffff, v13  }
0x106: {  	v13 =	vor.u32 v10, v14;
	v9 =	vadd.s32 v8, v30;
	v11 =	vand.u32 $0x380, v11;
	v19 =	vld.idx.msk [tilespmem:v31+s3+$0x0], $0xffff  }
0x107: {  	v10 =	vmul.f32 v18, v1;
	v9 =	vor.u32 v11, v9;
	v20 =	vld.idx.msk [tilespmem:v32+s3+$0x0], $0xffff;
	[tilespmem:v17+s20+$0x0] =	vst.idx.msk $0xffff, v12  }
.Ltmp2:
0x108: {  	v25 =	vmul.f32 v25, v3;
	v14 =	vmov s28;
	v9 =	vor.u32 v4, v9;
	(pc) =	sbr.rel @p0 .LBB2_7-.Ltmp2, $4  }
0x109: {  	v18 =	vor.u32 v4, v13;
	v11 =	vor.u32 v4, v22;
	v21 =	vmul.f32 v24, v3;
	v12 =	vld.idx.msk [tilespmem:v15+s3+$0x0], $0xffff  }
0x10a: {  	v13 =	vshll.u32 v14, $0x7;
	v24 =	vmul.f32 v33, v2;
	v15 =	vmul.f32 v29, v3  }
0x10b: {  	v17 =	vand.u32 $0x200, v13;
	v21 =	vadd.f32 v21, v23;
	v23 =	vmul.f32 v28, v1  }
0x10c: {  	s29 =	smov.u32 s26;
	v22 =	vshrl.u32 v14, $0x3;
	v13 =	vmul.f32 v27, v1;
	v14 =	vadd.f32 v25, v24  }
0x10d: {  	v5 =	vmul.u32 $0x1400, v22;
	_ =	sdelay $0x1  }
0x10e: {  	v6 =	vmul.f32 v16, v2;
	v5 =	vadd.s32 v8, v5  }
0x10f: {  	v2 =	vmul.f32 v19, v2;
	v3 =	vmul.f32 v20, v3;
	s25 =	sadd.s32 $0x1, s25;
	v5 =	vor.u32 v17, v5  }
0x110: {  	v7 =	vadd.f32 v23, v21;
	p0 =	sne.s32 s25, $0x28;
	v6 =	vadd.f32 v15, v6;
	v4 =	vor.u32 v4, v5  }
.Ltmp3:
0x111: {  	v1 =	vmul.f32 v12, v1;
	v2 =	vadd.f32 v3, v2;
	v3 =	vadd.f32 v10, v14;
	(pc) =	sbr.rel @p0 .LBB2_6-.Ltmp3, $4  }
0x112: {  	[tilespmem:v18+s20+$0x0] =	vst.idx.msk $0xffff, v7;
	v63 =	vadd.f32 v13, v6  }
0x113: {  	v1 =	vadd.f32 v1, v2;
	[tilespmem:v11+s20+$0x0] =	vst.idx.msk $0xffff, v3  }
0x114: {  	[tilespmem:v9+s20+$0x0] =	vst.idx.msk $0xffff, v63  }
0x115: {  	[tilespmem:v4+s20+$0x0] =	vst.idx.msk $0xffff, v1  }
0x116: {  	s23 =	sadd.s32 $0x1, s23  }
0x117: {  	p0 =	sne.s32 s23, s13  }
.Ltmp4:
0x118: {  	_ = 	snop;
	(pc) =	sbr.rel @p0 .LBB2_1-.Ltmp4, $4  }
0x119: {  	[hbm4b:s12+s21] =	stream.strided.scatter [tilespmem:s20], [sflag:$0x1], $0x14000, s22, s21, $0x38;
	[tilespmem:$0x1D700] =	vst v63  }
0x11a: {  	_ =	swait.ge [sflag:s16], $0x14000  }
0x11b: {  	[sflag:s16] =	ssyncset.done $0x0  }
0x11c: {  	[sflag:s16] =	ssyncadd.s32 $0xFFFEC000  }
0x11d: {  	_ =	sfence.sel $0x180000  }
0x11e: {  	[bflag:$0x0] =	sbarrier.arrive $0xFFFF  }
0x11f: {  	_ =	strace $0x90000047  }
0x120: {  	[bflag:$0x2] =	sbarrier.arrive $0xFFFF  }
0x121: {  	p0 =	sne.s32 s1, $0x0;
	s0 =	rddreg [dreg:$0x3]  }
0x122: {  	s0 =	sadd.s32 @!p0 $0x100000, s0  }
0x123: {  	[sflag:s0] =	ssyncadd.tile.s32 @!p0 $0x1;
	_ =	shalt  }
.Lfunc_end2:
_tile_overlayer_lowered:
.L_overlay_start_2:
0x124: {  	(tag) =	ssettag $0x2  }
0x125: {  	s0 =	rddreg [dreg:$0x0];
	s2 =	stileid.u32  }
0x126: {  	s1 =	rddreg [dreg:$0x1];
	p0 =	sne.s32 s2, $0x0  }
0x127: {  	s3 =	rddreg [dreg:$0x2];
	[bflag:$0x3] =	sbarrier.arrive $0xFFFF;
	s2 =	simm.s32 @!p0 $0x1C01  }
0x128: {  	[timem:s3], [sflag:s2] =	dma.local @!p0 [hbm:s0], s1  }
0x129: {  	s0 =	simm.s32 @!p0 $0x1  }
0x12a: {  	_ =	swait.ge @!p0 [sflag:s0], s1  }
0x12b: {  	s1 =	ssub.s32 @!p0 $0x0, s1;
	[sflag:s0] =	ssyncset.done @!p0 $0x0  }
0x12c: {  	[sflag:s0] =	ssyncadd.s32 @!p0 s1  }
0x12d: {  	[bflag:$0x3] =	sbarrier.arrive $0xFFFF  }
0x12e: {  	_ =	shalt  }

</sc_bundles>
